<compile_context>
chip_gen: v7x
topology: tpu7x:2x2x1
jax: 0.10.2.dev20260603
libtpu: 0.0.44.dev20260713+nightly
codegen_flags: <defaults>
</compile_context>

<pallas_src>
import functools

import jax
import jax.numpy as jnp
from jax import lax
from jax.experimental import pallas as pl
from jax.experimental.pallas import tpu as pltpu
from jax.experimental.pallas import tpu_sc as plsc

B, L, D, TOPK, WIN = 4, 2048, 1024, 32, 5
NK = L - TOPK
BL = 256

NC, NS = 2, 16
NW = NC * NS
CH = 56

N_CAND = B * TOPK
N_CTX = B * TOPK * WIN
N_NOE = B * NK
N_CTXNO = B * NK * WIN
N_CAND_P = 3 * CH
N_CTX_P = 12 * CH


def _nit(n):
    q, r = divmod(n // CH, NW)
    return q + (1 if r else 0)


NIT_MAX = max(_nit(n) for n in (N_CAND_P, N_CTX_P, N_NOE, N_CTXNO))


def _mm_body(x_ref, we_ref, be_ref, wc_ref, bc_ref, rep_ref):
    x = x_ref[0]
    emo = lax.dot_general(x, we_ref[...], (((1,), (0,)), ((), ())),
                          preferred_element_type=jnp.float32) + be_ref[...]
    con = lax.dot_general(x, wc_ref[...], (((1,), (0,)), ((), ())),
                          preferred_element_type=jnp.float32) + bc_ref[...]
    rep_ref[0, 0] = emo
    rep_ref[1, 0] = con


def _matmuls(x, we, be, wc, bc):
    grid = (B, L // BL)
    rep = pl.pallas_call(
        _mm_body,
        grid=grid,
        in_specs=[
            pl.BlockSpec((1, BL, D), lambda b, l: (b, l, 0)),
            pl.BlockSpec((D, D), lambda b, l: (0, 0)),
            pl.BlockSpec((1, D), lambda b, l: (0, 0)),
            pl.BlockSpec((D, D), lambda b, l: (0, 0)),
            pl.BlockSpec((1, D), lambda b, l: (0, 0)),
        ],
        out_specs=[
            pl.BlockSpec((2, 1, BL, D), lambda b, l: (0, b, l, 0)),
        ],
        out_shape=[
            jax.ShapeDtypeStruct((2, B, L, D), jnp.float32),
        ],
    )(x, we, be, wc, bc)
    return rep[0]


def _topk_body(pred_ref, emo_ref, no_ref, ctxe_ref, ctxn_ref,
               gcand_ref, gctx_ref, gnoe_ref, gctxno_ref):
    x = pred_ref[...]
    iota_l = lax.broadcasted_iota(jnp.int32, (B, L), 1)
    iota_k = lax.broadcasted_iota(jnp.int32, (B, TOPK), 1)
    neg = jnp.float32(-3.0e38)

    def sel_step(k, carry):
        xx, eidx = carry
        m = jnp.max(xx, axis=1, keepdims=True)
        idx = jnp.min(jnp.where(xx == m, iota_l, L), axis=1, keepdims=True)
        eidx = jnp.where(iota_k == k, idx, eidx)
        xx = jnp.where(iota_l == idx, neg, xx)
        return xx, eidx

    _, eidx = lax.fori_loop(
        0, TOPK, sel_step, (x, jnp.zeros((B, TOPK), jnp.int32)))

    def sort_step(k, carry):
        rem, sidx = carry
        mn = jnp.min(rem, axis=1, keepdims=True)
        sidx = jnp.where(iota_k == k, mn, sidx)
        rem = jnp.where(rem == mn, L, rem)
        return rem, sidx

    _, sidx = lax.fori_loop(
        0, TOPK, sort_step, (eidx, jnp.zeros((B, TOPK), jnp.int32)))

    s = lax.broadcasted_iota(jnp.int32, (B, NK), 1)

    def shift_step(k, shift):
        v = jnp.min(jnp.where(iota_k == k, sidx, L), axis=1, keepdims=True)
        return shift + (v <= s + shift).astype(jnp.int32)

    shift = lax.fori_loop(0, TOPK, shift_step, jnp.zeros((B, NK), jnp.int32))
    no_idx = s + shift

    b_k = lax.broadcasted_iota(jnp.int32, (B, TOPK), 0)
    b_n = lax.broadcasted_iota(jnp.int32, (B, NK), 0)

    emo_ref[...] = eidx
    no_ref[...] = no_idx
    gcand_ref[...] = eidx + b_k * L
    gnoe_ref[...] = no_idx + b_n * L
    for w in range(WIN):
        off = w - 2
        ce = jnp.clip(eidx + off, 0, L - 1)
        cn = jnp.clip(no_idx + off, 0, L - 1)
        ctxe_ref[:, w, :] = ce
        ctxn_ref[:, w, :] = cn
        gctx_ref[:, w, :] = ce + (B + b_k) * L
        gctxno_ref[:, w, :] = cn + (B + b_n) * L


def _topk(pred_e):
    full = lambda shp: pl.BlockSpec(shp, lambda: tuple(0 for _ in shp))
    outs = [
        jax.ShapeDtypeStruct((B, TOPK), jnp.int32),
        jax.ShapeDtypeStruct((B, NK), jnp.int32),
        jax.ShapeDtypeStruct((B, WIN, TOPK), jnp.int32),
        jax.ShapeDtypeStruct((B, WIN, NK), jnp.int32),
        jax.ShapeDtypeStruct((B, TOPK), jnp.int32),
        jax.ShapeDtypeStruct((B, WIN, TOPK), jnp.int32),
        jax.ShapeDtypeStruct((B, NK), jnp.int32),
        jax.ShapeDtypeStruct((B, WIN, NK), jnp.int32),
    ]
    return pl.pallas_call(
        _topk_body,
        in_specs=[full((B, L))],
        out_specs=[full(o.shape) for o in outs],
        out_shape=outs,
    )(pred_e)


def _gather_body(rep_hbm, esel_hbm, i_cand, i_ctx, i_noe, i_ctxno,
                 o_cand, o_ctx, o_noe, o_ctxno,
                 idx_all, row_v0, row_v1, gsem, wsem0, wsem1):
    wid = lax.axis_index("s") * NC + lax.axis_index("c")
    row_v = (row_v0, row_v1)
    wsem = (wsem0, wsem1)

    def one(i_ref, o_ref, n):
        nch = n // CH
        q, r = nch // NW, nch % NW
        cnt = q + jnp.where(wid < r, 1, 0)
        start = wid * q + jnp.minimum(wid, r)
        nit = q + (1 if r else 0)

        pltpu.sync_copy(i_ref.at[pl.ds(start * CH, nit * CH)],
                        idx_all.at[pl.ds(0, nit * CH)])

        def pair(j2, carry):
            for b in range(2):
                j = j2 * 2 + b

                @pl.when(j < cnt)
                def _():
                    @pl.when(j >= 2)
                    def _():
                        pltpu.make_async_copy(
                            o_ref.at[pl.ds(0, CH)], row_v[b], wsem[b]).wait()

                    pltpu.async_copy(
                        rep_hbm.at[idx_all.at[pl.ds(j * CH, CH)]],
                        row_v[b], gsem).wait()
                    pltpu.async_copy(
                        row_v[b], o_ref.at[pl.ds((start + j) * CH, CH)],
                        wsem[b])

            return carry

        lax.fori_loop(0, (nit + 1) // 2, pair, 0)

        for b in range(2):
            @pl.when(cnt >= b + 1)
            def _():
                pltpu.make_async_copy(
                    o_ref.at[pl.ds(0, CH)], row_v[b], wsem[b]).wait()

    one(i_cand, o_cand, N_CAND_P)
    one(i_ctx, o_ctx, N_CTX_P)
    one(i_noe, o_noe, N_NOE)
    one(i_ctxno, o_ctxno, N_CTXNO)


def _gathers(rep_flat, e_sel, f_cand, f_ctx, f_noe, f_ctxno):
    mesh = plsc.VectorSubcoreMesh(core_axis_name="c", subcore_axis_name="s")
    def pad_to(f, n_live, n_chunks_target):
        extra = n_chunks_target - n_live + _nit(n_chunks_target) * CH
        return jnp.concatenate([f, jnp.zeros((extra,), jnp.int32)])

    f_cand_p = pad_to(f_cand, N_CAND, N_CAND_P)
    f_ctx_p = pad_to(f_ctx, N_CTX, N_CTX_P)
    f_noe_p = pad_to(f_noe, N_NOE, N_NOE)
    f_ctxno_p = pad_to(f_ctxno, N_CTXNO, N_CTXNO)
    fn = functools.partial(
        pl.kernel,
        mesh=mesh,
        out_type=[
            jax.ShapeDtypeStruct((N_CAND_P, D), jnp.float32),
            jax.ShapeDtypeStruct((N_CTX_P, D), jnp.float32),
            jax.ShapeDtypeStruct((N_NOE, D), jnp.float32),
            jax.ShapeDtypeStruct((N_CTXNO, D), jnp.float32),
        ],
        scratch_types=[
            pltpu.VMEM((NIT_MAX * CH,), jnp.int32),
            pltpu.VMEM((CH, D), jnp.float32),
            pltpu.VMEM((CH, D), jnp.float32),
            pltpu.SemaphoreType.DMA,
            pltpu.SemaphoreType.DMA,
            pltpu.SemaphoreType.DMA,
        ],
    )(_gather_body)
    o_cand, o_ctx, o_noe, o_ctxno = fn(
        rep_flat, e_sel, f_cand_p, f_ctx_p, f_noe_p, f_ctxno_p)
    return o_cand[:N_CAND], o_ctx[:N_CTX], o_noe, o_ctxno


def kernel(doc_sents_h, W_emo, b_emo, W_con, b_con, W_out, b_out):
    e_sel = doc_sents_h @ W_emo + b_emo
    pred_e = (e_sel @ W_out + b_out)[..., 0]

    rep = _matmuls(
        doc_sents_h, W_emo, b_emo.reshape(1, D), W_con, b_con.reshape(1, D))

    (emo_idx, no_idx, ctx_emo, ctx_no,
     g_cand, g_ctx, g_noe, g_ctxno) = _topk(pred_e)

    f_cand = g_cand.reshape(-1)
    f_ctx = g_ctx.reshape(-1)
    f_noe = g_noe.reshape(-1)
    f_ctxno = g_ctxno.reshape(-1)

    rep_flat = rep.reshape(2 * B * L, D)
    o_cand, o_ctx, o_noe, o_ctxno = _gathers(
        rep_flat, e_sel, f_cand, f_ctx, f_noe, f_ctxno)

    cand_emotion_clause = o_cand.reshape(B, TOPK, D)
    context_clause = jnp.transpose(
        o_ctx.reshape(B, WIN, TOPK, D), (0, 2, 1, 3))
    no_emotion_clause = o_noe.reshape(B, NK, D)
    context_no_emotion_clause = jnp.transpose(
        o_ctxno.reshape(B, WIN, NK, D), (0, 2, 1, 3))

    ctx_emo_t = jnp.transpose(ctx_emo, (0, 2, 1)).reshape(B, TOPK * WIN)
    ctx_no_t = jnp.transpose(ctx_no, (0, 2, 1)).reshape(B, NK * WIN)
    pair_emotion = jnp.stack(
        [jnp.repeat(emo_idx, WIN, axis=1), ctx_emo_t], axis=-1)
    pair_no_emotion = jnp.stack(
        [jnp.repeat(no_idx, WIN, axis=1), ctx_no_t], axis=-1)

    return (pred_e, emo_idx, pair_emotion, cand_emotion_clause,
            context_clause, no_emotion_clause, context_no_emotion_clause,
            pair_no_emotion)

# --- scband reference (transcript-rebuilt; emitter-appended) ---
"""Pipeline reference for scband-emotion-predictions-72121090834435 (READ-ONLY COPY).

The authoritative reference and input builder live on the scoring server;
editing this copy changes nothing except your own understanding.
"""

import jax, jax.numpy as jnp
import numpy as np

B, L, D, TOPK, WIN = 4, 2048, 1024, 32, 5


def setup_inputs(seed: int = 0) -> dict:
    key = jax.random.key(seed)
    ks = jax.random.split(key, 7)
    s = 1.0 / np.sqrt(D)
    return {
        "doc_sents_h": jax.random.normal(ks[0], (B, L, D), dtype=jnp.float32),
        "W_emo": jax.random.uniform(ks[1], (D, D), jnp.float32, -s, s),
        "b_emo": jax.random.uniform(ks[2], (D,), jnp.float32, -s, s),
        "W_con": jax.random.uniform(ks[3], (D, D), jnp.float32, -s, s),
        "b_con": jax.random.uniform(ks[4], (D,), jnp.float32, -s, s),
        "W_out": jax.random.uniform(ks[5], (D, 1), jnp.float32, -s, s),
        "b_out": jax.random.uniform(ks[6], (1,), jnp.float32, -s, s),
    }


def _gather_rows(h, idx):
    # torch: doc_sents_h.gather(1, idx.unsqueeze(-1).expand(B, K, D))
    dummy = jnp.broadcast_to(idx[:, :, None], (h.shape[0], idx.shape[1], h.shape[2]))
    return jnp.take_along_axis(h, dummy, axis=1)


def _gen_window(idx):
    offs = jnp.arange(-2, 3)
    return jnp.clip(idx[:, :, None] + offs[None, None, :], 0, L - 1)


def _context_select(h, ctx_idx):
    flat = ctx_idx.reshape(h.shape[0], -1)
    g = _gather_rows(h, flat)
    return g.reshape(h.shape[0], ctx_idx.shape[1], WIN, h.shape[2])


def _gen_pairs(idx, ctx_idx):
    emo = jnp.broadcast_to(idx[:, :, None], (idx.shape[0], idx.shape[1], WIN)).reshape(idx.shape[0], -1)
    ctx = ctx_idx.reshape(idx.shape[0], -1)
    return jnp.stack([emo, ctx], axis=-1)


def reference(doc_sents_h, W_emo, b_emo, W_con, b_con, W_out, b_out):
    emo_rep = doc_sents_h @ W_emo + b_emo
    con_rep = doc_sents_h @ W_con + b_con
    pred_e = (emo_rep @ W_out + b_out)[..., 0]  # [B, L]
    _, emo_idx = jax.lax.top_k(pred_e, TOPK)  # descending order, same as torch.topk
    cand_emotion_clause = _gather_rows(emo_rep, emo_idx)
    ctx_idx = _gen_window(emo_idx)
    context_clause = _context_select(con_rep, ctx_idx)
    pair_emotion = _gen_pairs(emo_idx, ctx_idx)
    # np.setdiff1d equivalent: sorted complement of emo_idx in [0, L), fixed size L - TOPK
    is_emo = jnp.zeros((B, L), jnp.int32).at[jnp.arange(B)[:, None], emo_idx].set(1)
    no_idx = jnp.argsort(is_emo, axis=1)[:, : L - TOPK]  # stable sort keeps ascending order
    no_emotion_clause = _gather_rows(emo_rep, no_idx)
    no_ctx_idx = _gen_window(no_idx)
    context_no_emotion_clause = _context_select(con_rep, no_ctx_idx)
    pair_no_emotion = _gen_pairs(no_idx, no_ctx_idx)
    return (pred_e, emo_idx, pair_emotion, cand_emotion_clause, context_clause,
            no_emotion_clause, context_no_emotion_clause, pair_no_emotion)

if __name__ == "__main__":
    import jax
    _d = setup_inputs()
    print(jax.jit(kernel)(*tuple(_d.values())))

</pallas_src>

<mosaic_0001>
#map = affine_map<(d0, d1) -> (0, 0)>
#map1 = affine_map<(d0, d1) -> (0, 0, 0)>
#map2 = affine_map<(d0, d1) -> (0)>
module attributes {stable_mosaic.version = 14 : i64} {
  func.func @_gather_body(%arg0: i32, %arg1: i32, %arg2: memref<16384x1024xf32, #tpu.memory_space<hbm>>, %arg3: memref<4x2048x1024xf32, #tpu.memory_space<hbm>>, %arg4: memref<224xi32, #tpu.memory_space<hbm>>, %arg5: memref<728xi32, #tpu.memory_space<hbm>>, %arg6: memref<8344xi32, #tpu.memory_space<hbm>>, %arg7: memref<41608xi32, #tpu.memory_space<hbm>>, %arg8: memref<168x1024xf32, #tpu.memory_space<hbm>>, %arg9: memref<672x1024xf32, #tpu.memory_space<hbm>>, %arg10: memref<8064x1024xf32, #tpu.memory_space<hbm>>, %arg11: memref<40320x1024xf32, #tpu.memory_space<hbm>>, %arg12: memref<1288xi32, #tpu.memory_space<vmem>>, %arg13: memref<56x1024xf32, #tpu.memory_space<vmem>>, %arg14: memref<56x1024xf32, #tpu.memory_space<vmem>>, %arg15: memref<!tpu.dma_semaphore, #tpu.memory_space<semaphore_mem>>, %arg16: memref<!tpu.dma_semaphore, #tpu.memory_space<semaphore_mem>>, %arg17: memref<!tpu.dma_semaphore, #tpu.memory_space<semaphore_mem>>) attributes {dimension_semantics = [#tpu.dimension_semantics<core_parallel>, #tpu.dimension_semantics<subcore_parallel>], iteration_bounds = array<i64: 2, 16>, scalar_prefetch = 0 : i64, scratch_operands = 6 : i64, tpu.core_type = #tpu.core_type<sc_vector_subcore>, window_params = [{transform_indices = #map}, {transform_indices = #map1}, {transform_indices = #map2}, {transform_indices = #map2}, {transform_indices = #map2}, {transform_indices = #map2}, {transform_indices = #map}, {transform_indices = #map}, {transform_indices = #map}, {transform_indices = #map}]} {
    %mul3A = arith.constant 2 : i32
    %mul3A_0 = arith.muli %arg1, %mul3A : i32
    %add3A = arith.addi %mul3A_0, %arg0 : i32
    %lt3A = arith.constant 3 : i32
    %lt3A_1 = arith.cmpi slt, %add3A, %lt3A : i32
    %jit3A = arith.constant 1 : i32
    %jit3A_2 = arith.constant 0 : i32
    %select_n3A = arith.select %lt3A_1, %jit3A, %jit3A_2 : i32
    %add3A_3 = arith.constant 0 : i32
    %add3A_4 = arith.addi %add3A_3, %select_n3A : i32
    %mul3A_5 = arith.constant 0 : i32
    %mul3A_6 = arith.muli %add3A, %mul3A_5 : i32
    %min3A = arith.constant 3 : i32
    %min3A_7 = arith.minsi %add3A, %min3A : i32
    %add3A_8 = arith.addi %mul3A_6, %min3A_7 : i32
    %mul3A_9 = arith.constant 56 : i32
    %mul3A_10 = arith.muli %add3A_8, %mul3A_9 : i32
    "tpu.region"() ({
      %run_scoped3A = tpu.sem_alloc : memref<!tpu.dma_semaphore, #tpu.memory_space<semaphore_mem>>
      %dma_start3A = arith.constant 0 : i32
      %dma_start3A_139 = tpu.memref_slice %arg12[%dma_start3A] : memref<1288xi32, #tpu.memory_space<vmem>> -> memref<56xi32, #tpu.memory_space<vmem>>
      %dma_start3A_140 = tpu.memref_slice %arg4[%mul3A_10] : memref<224xi32, #tpu.memory_space<hbm>> -> memref<56xi32, #tpu.memory_space<hbm>>
      %dma_start3A_141 = arith.constant 0 : i32
      %dma_start3A_142 = tpu.memref_slice %arg12[%dma_start3A_141] : memref<1288xi32, #tpu.memory_space<vmem>> -> memref<56xi32, #tpu.memory_space<vmem>>
      %dma_start3A_143 = tpu.memref_slice %arg4[%mul3A_10] : memref<224xi32, #tpu.memory_space<hbm>> -> memref<56xi32, #tpu.memory_space<hbm>>
      tpu.enqueue_dma source(%dma_start3A_143 : memref<56xi32, #tpu.memory_space<hbm>>) target(%dma_start3A_142 : memref<56xi32, #tpu.memory_space<vmem>>) target_semaphore(%run_scoped3A : memref<!tpu.dma_semaphore, #tpu.memory_space<semaphore_mem>>)
      %dma_wait3A = arith.constant 0 : i32
      %dma_wait3A_144 = tpu.memref_slice %arg12[%dma_wait3A] : memref<1288xi32, #tpu.memory_space<vmem>> -> memref<56xi32, #tpu.memory_space<vmem>>
      %dma_wait3A_145 = tpu.memref_slice %arg4[%mul3A_10] : memref<224xi32, #tpu.memory_space<hbm>> -> memref<56xi32, #tpu.memory_space<hbm>>
      %dma_wait3A_146 = arith.constant 0 : i32
      %dma_wait3A_147 = tpu.memref_slice %arg12[%dma_wait3A_146] : memref<1288xi32, #tpu.memory_space<vmem>> -> memref<56xi32, #tpu.memory_space<vmem>>
      %dma_wait3A_148 = tpu.memref_slice %arg4[%mul3A_10] : memref<224xi32, #tpu.memory_space<hbm>> -> memref<56xi32, #tpu.memory_space<hbm>>
      tpu.wait_dma2 semaphore(%run_scoped3A : memref<!tpu.dma_semaphore, #tpu.memory_space<semaphore_mem>>) src(%dma_wait3A_148 : memref<56xi32, #tpu.memory_space<hbm>>) dst(%dma_wait3A_147 : memref<56xi32, #tpu.memory_space<vmem>>)
      tpu.yield
    }) : () -> ()
    %scan3A = arith.constant 0 : i32
    %scan3A_11 = arith.constant 0 : i32
    %mul3A_12 = arith.constant 2 : i32
    %mul3A_13 = arith.muli %scan3A_11, %mul3A_12 : i32
    %add3A_14 = arith.constant 0 : i32
    %add3A_15 = arith.addi %mul3A_13, %add3A_14 : i32
    %lt3A_16 = arith.cmpi slt, %add3A_15, %add3A_4 : i32
    %convert_element_type3A = arith.extui %lt3A_16 : i1 to i32
    %cond3A = arith.constant 0 : i32
    %cond3A_17 = arith.cmpi ne, %convert_element_type3A, %cond3A : i32
    scf.if %cond3A_17 {
      %ge3A_139 = arith.constant 2 : i32
      %ge3A_140 = arith.cmpi sge, %add3A_15, %ge3A_139 : i32
      %convert_element_type3A_141 = arith.extui %ge3A_140 : i1 to i32
      %cond3A_142 = arith.constant 0 : i32
      %cond3A_143 = arith.cmpi ne, %convert_element_type3A_141, %cond3A_142 : i32
      scf.if %cond3A_143 {
        %dma_wait3A_159 = arith.constant 0 : i32
        %dma_wait3A_160 = arith.constant 0 : i32
        %dma_wait3A_161 = tpu.memref_slice %arg8[%dma_wait3A_159, %dma_wait3A_160] : memref<168x1024xf32, #tpu.memory_space<hbm>> -> memref<56x1024xf32, #tpu.memory_space<hbm>>
        %dma_wait3A_162 = arith.constant 0 : i32
        %dma_wait3A_163 = arith.constant 0 : i32
        %dma_wait3A_164 = tpu.memref_slice %arg8[%dma_wait3A_162, %dma_wait3A_163] : memref<168x1024xf32, #tpu.memory_space<hbm>> -> memref<56x1024xf32, #tpu.memory_space<hbm>>
        tpu.wait_dma2 semaphore(%arg16 : memref<!tpu.dma_semaphore, #tpu.memory_space<semaphore_mem>>) src(%dma_wait3A_164 : memref<56x1024xf32, #tpu.memory_space<hbm>>) dst(%arg13 : memref<56x1024xf32, #tpu.memory_space<vmem>>)
      } else {
      }
      %mul3A_144 = arith.constant 56 : i32
      %mul3A_145 = arith.muli %add3A_15, %mul3A_144 : i32
      %dma_start3A = tpu.memref_slice %arg12[%mul3A_145] : memref<1288xi32, #tpu.memory_space<vmem>> -> memref<56xi32, #tpu.memory_space<vmem>>
      %dma_start3A_146 = arith.constant 0 : i32
      %dma_start3A_147 = arith.constant 0 : i32
      %dma_start3A_148 = tpu.memref_slice %arg2[%dma_start3A_146, %dma_start3A_147] : memref<16384x1024xf32, #tpu.memory_space<hbm>> -> memref<16384x1024xf32, #tpu.memory_space<hbm>>
      tpu.enqueue_indirect_dma source(%dma_start3A_148 : memref<16384x1024xf32, #tpu.memory_space<hbm>>) target(%arg13 : memref<56x1024xf32, #tpu.memory_space<vmem>>) offsets(%dma_start3A : memref<56xi32, #tpu.memory_space<vmem>>) semaphore(%arg15 : memref<!tpu.dma_semaphore, #tpu.memory_space<semaphore_mem>>)
      %dma_wait3A = tpu.memref_slice %arg12[%mul3A_145] : memref<1288xi32, #tpu.memory_space<vmem>> -> memref<56xi32, #tpu.memory_space<vmem>>
      %dma_wait3A_149 = arith.constant 0 : i32
      %dma_wait3A_150 = arith.constant 0 : i32
      %dma_wait3A_151 = tpu.memref_slice %arg2[%dma_wait3A_149, %dma_wait3A_150] : memref<16384x1024xf32, #tpu.memory_space<hbm>> -> memref<16384x1024xf32, #tpu.memory_space<hbm>>
      tpu.wait_indirect_dma semaphore(%arg15 : memref<!tpu.dma_semaphore, #tpu.memory_space<semaphore_mem>>) src(%dma_wait3A_151 : memref<16384x1024xf32, #tpu.memory_space<hbm>>) dst(%arg13 : memref<56x1024xf32, #tpu.memory_space<vmem>>)
      %add3A_152 = arith.addi %add3A_8, %add3A_15 : i32
      %mul3A_153 = arith.constant 56 : i32
      %mul3A_154 = arith.muli %add3A_152, %mul3A_153 : i32
      %dma_start3A_155 = arith.constant 0 : i32
      %dma_start3A_156 = tpu.memref_slice %arg8[%mul3A_154, %dma_start3A_155] : memref<168x1024xf32, #tpu.memory_space<hbm>> -> memref<56x1024xf32, #tpu.memory_space<hbm>>
      %dma_start3A_157 = arith.constant 0 : i32
      %dma_start3A_158 = tpu.memref_slice %arg8[%mul3A_154, %dma_start3A_157] : memref<168x1024xf32, #tpu.memory_space<hbm>> -> memref<56x1024xf32, #tpu.memory_space<hbm>>
      tpu.enqueue_dma source(%arg13 : memref<56x1024xf32, #tpu.memory_space<vmem>>) target(%dma_start3A_158 : memref<56x1024xf32, #tpu.memory_space<hbm>>) target_semaphore(%arg16 : memref<!tpu.dma_semaphore, #tpu.memory_space<semaphore_mem>>)
    } else {
    }
    %mul3A_18 = arith.constant 2 : i32
    %mul3A_19 = arith.muli %scan3A_11, %mul3A_18 : i32
    %add3A_20 = arith.constant 1 : i32
    %add3A_21 = arith.addi %mul3A_19, %add3A_20 : i32
    %lt3A_22 = arith.cmpi slt, %add3A_21, %add3A_4 : i32
    %convert_element_type3A_23 = arith.extui %lt3A_22 : i1 to i32
    %cond3A_24 = arith.constant 0 : i32
    %cond3A_25 = arith.cmpi ne, %convert_element_type3A_23, %cond3A_24 : i32
    scf.if %cond3A_25 {
      %ge3A_139 = arith.constant 2 : i32
      %ge3A_140 = arith.cmpi sge, %add3A_21, %ge3A_139 : i32
      %convert_element_type3A_141 = arith.extui %ge3A_140 : i1 to i32
      %cond3A_142 = arith.constant 0 : i32
      %cond3A_143 = arith.cmpi ne, %convert_element_type3A_141, %cond3A_142 : i32
      scf.if %cond3A_143 {
        %dma_wait3A_159 = arith.constant 0 : i32
        %dma_wait3A_160 = arith.constant 0 : i32
        %dma_wait3A_161 = tpu.memref_slice %arg8[%dma_wait3A_159, %dma_wait3A_160] : memref<168x1024xf32, #tpu.memory_space<hbm>> -> memref<56x1024xf32, #tpu.memory_space<hbm>>
        %dma_wait3A_162 = arith.constant 0 : i32
        %dma_wait3A_163 = arith.constant 0 : i32
        %dma_wait3A_164 = tpu.memref_slice %arg8[%dma_wait3A_162, %dma_wait3A_163] : memref<168x1024xf32, #tpu.memory_space<hbm>> -> memref<56x1024xf32, #tpu.memory_space<hbm>>
        tpu.wait_dma2 semaphore(%arg17 : memref<!tpu.dma_semaphore, #tpu.memory_space<semaphore_mem>>) src(%dma_wait3A_164 : memref<56x1024xf32, #tpu.memory_space<hbm>>) dst(%arg14 : memref<56x1024xf32, #tpu.memory_space<vmem>>)
      } else {
      }
      %mul3A_144 = arith.constant 56 : i32
      %mul3A_145 = arith.muli %add3A_21, %mul3A_144 : i32
      %dma_start3A = tpu.memref_slice %arg12[%mul3A_145] : memref<1288xi32, #tpu.memory_space<vmem>> -> memref<56xi32, #tpu.memory_space<vmem>>
      %dma_start3A_146 = arith.constant 0 : i32
      %dma_start3A_147 = arith.constant 0 : i32
      %dma_start3A_148 = tpu.memref_slice %arg2[%dma_start3A_146, %dma_start3A_147] : memref<16384x1024xf32, #tpu.memory_space<hbm>> -> memref<16384x1024xf32, #tpu.memory_space<hbm>>
      tpu.enqueue_indirect_dma source(%dma_start3A_148 : memref<16384x1024xf32, #tpu.memory_space<hbm>>) target(%arg14 : memref<56x1024xf32, #tpu.memory_space<vmem>>) offsets(%dma_start3A : memref<56xi32, #tpu.memory_space<vmem>>) semaphore(%arg15 : memref<!tpu.dma_semaphore, #tpu.memory_space<semaphore_mem>>)
      %dma_wait3A = tpu.memref_slice %arg12[%mul3A_145] : memref<1288xi32, #tpu.memory_space<vmem>> -> memref<56xi32, #tpu.memory_space<vmem>>
      %dma_wait3A_149 = arith.constant 0 : i32
      %dma_wait3A_150 = arith.constant 0 : i32
      %dma_wait3A_151 = tpu.memref_slice %arg2[%dma_wait3A_149, %dma_wait3A_150] : memref<16384x1024xf32, #tpu.memory_space<hbm>> -> memref<16384x1024xf32, #tpu.memory_space<hbm>>
      tpu.wait_indirect_dma semaphore(%arg15 : memref<!tpu.dma_semaphore, #tpu.memory_space<semaphore_mem>>) src(%dma_wait3A_151 : memref<16384x1024xf32, #tpu.memory_space<hbm>>) dst(%arg14 : memref<56x1024xf32, #tpu.memory_space<vmem>>)
      %add3A_152 = arith.addi %add3A_8, %add3A_21 : i32
      %mul3A_153 = arith.constant 56 : i32
      %mul3A_154 = arith.muli %add3A_152, %mul3A_153 : i32
      %dma_start3A_155 = arith.constant 0 : i32
      %dma_start3A_156 = tpu.memref_slice %arg8[%mul3A_154, %dma_start3A_155] : memref<168x1024xf32, #tpu.memory_space<hbm>> -> memref<56x1024xf32, #tpu.memory_space<hbm>>
      %dma_start3A_157 = arith.constant 0 : i32
      %dma_start3A_158 = tpu.memref_slice %arg8[%mul3A_154, %dma_start3A_157] : memref<168x1024xf32, #tpu.memory_space<hbm>> -> memref<56x1024xf32, #tpu.memory_space<hbm>>
      tpu.enqueue_dma source(%arg14 : memref<56x1024xf32, #tpu.memory_space<vmem>>) target(%dma_start3A_158 : memref<56x1024xf32, #tpu.memory_space<hbm>>) target_semaphore(%arg17 : memref<!tpu.dma_semaphore, #tpu.memory_space<semaphore_mem>>)
    } else {
    }
    %scan3A_26 = arith.constant 1 : i32
    %ge3A = arith.constant 1 : i32
    %ge3A_27 = arith.cmpi sge, %add3A_4, %ge3A : i32
    %convert_element_type3A_28 = arith.extui %ge3A_27 : i1 to i32
    %cond3A_29 = arith.constant 0 : i32
    %cond3A_30 = arith.cmpi ne, %convert_element_type3A_28, %cond3A_29 : i32
    scf.if %cond3A_30 {
      %dma_wait3A = arith.constant 0 : i32
      %dma_wait3A_139 = arith.constant 0 : i32
      %dma_wait3A_140 = tpu.memref_slice %arg8[%dma_wait3A, %dma_wait3A_139] : memref<168x1024xf32, #tpu.memory_space<hbm>> -> memref<56x1024xf32, #tpu.memory_space<hbm>>
      %dma_wait3A_141 = arith.constant 0 : i32
      %dma_wait3A_142 = arith.constant 0 : i32
      %dma_wait3A_143 = tpu.memref_slice %arg8[%dma_wait3A_141, %dma_wait3A_142] : memref<168x1024xf32, #tpu.memory_space<hbm>> -> memref<56x1024xf32, #tpu.memory_space<hbm>>
      tpu.wait_dma2 semaphore(%arg16 : memref<!tpu.dma_semaphore, #tpu.memory_space<semaphore_mem>>) src(%dma_wait3A_143 : memref<56x1024xf32, #tpu.memory_space<hbm>>) dst(%arg13 : memref<56x1024xf32, #tpu.memory_space<vmem>>)
    } else {
    }
    %ge3A_31 = arith.constant 2 : i32
    %ge3A_32 = arith.cmpi sge, %add3A_4, %ge3A_31 : i32
    %convert_element_type3A_33 = arith.extui %ge3A_32 : i1 to i32
    %cond3A_34 = arith.constant 0 : i32
    %cond3A_35 = arith.cmpi ne, %convert_element_type3A_33, %cond3A_34 : i32
    scf.if %cond3A_35 {
      %dma_wait3A = arith.constant 0 : i32
      %dma_wait3A_139 = arith.constant 0 : i32
      %dma_wait3A_140 = tpu.memref_slice %arg8[%dma_wait3A, %dma_wait3A_139] : memref<168x1024xf32, #tpu.memory_space<hbm>> -> memref<56x1024xf32, #tpu.memory_space<hbm>>
      %dma_wait3A_141 = arith.constant 0 : i32
      %dma_wait3A_142 = arith.constant 0 : i32
      %dma_wait3A_143 = tpu.memref_slice %arg8[%dma_wait3A_141, %dma_wait3A_142] : memref<168x1024xf32, #tpu.memory_space<hbm>> -> memref<56x1024xf32, #tpu.memory_space<hbm>>
      tpu.wait_dma2 semaphore(%arg17 : memref<!tpu.dma_semaphore, #tpu.memory_space<semaphore_mem>>) src(%dma_wait3A_143 : memref<56x1024xf32, #tpu.memory_space<hbm>>) dst(%arg14 : memref<56x1024xf32, #tpu.memory_space<vmem>>)
    } else {
    }
    %lt3A_36 = arith.constant 12 : i32
    %lt3A_37 = arith.cmpi slt, %add3A, %lt3A_36 : i32
    %jit3A_38 = arith.constant 1 : i32
    %jit3A_39 = arith.constant 0 : i32
    %select_n3A_40 = arith.select %lt3A_37, %jit3A_38, %jit3A_39 : i32
    %add3A_41 = arith.constant 0 : i32
    %add3A_42 = arith.addi %add3A_41, %select_n3A_40 : i32
    %mul3A_43 = arith.constant 0 : i32
    %mul3A_44 = arith.muli %add3A, %mul3A_43 : i32
    %min3A_45 = arith.constant 12 : i32
    %min3A_46 = arith.minsi %add3A, %min3A_45 : i32
    %add3A_47 = arith.addi %mul3A_44, %min3A_46 : i32
    %mul3A_48 = arith.constant 56 : i32
    %mul3A_49 = arith.muli %add3A_47, %mul3A_48 : i32
    "tpu.region"() ({
      %run_scoped3A = tpu.sem_alloc : memref<!tpu.dma_semaphore, #tpu.memory_space<semaphore_mem>>
      %dma_start3A = arith.constant 0 : i32
      %dma_start3A_139 = tpu.memref_slice %arg12[%dma_start3A] : memref<1288xi32, #tpu.memory_space<vmem>> -> memref<56xi32, #tpu.memory_space<vmem>>
      %dma_start3A_140 = tpu.memref_slice %arg5[%mul3A_49] : memref<728xi32, #tpu.memory_space<hbm>> -> memref<56xi32, #tpu.memory_space<hbm>>
      %dma_start3A_141 = arith.constant 0 : i32
      %dma_start3A_142 = tpu.memref_slice %arg12[%dma_start3A_141] : memref<1288xi32, #tpu.memory_space<vmem>> -> memref<56xi32, #tpu.memory_space<vmem>>
      %dma_start3A_143 = tpu.memref_slice %arg5[%mul3A_49] : memref<728xi32, #tpu.memory_space<hbm>> -> memref<56xi32, #tpu.memory_space<hbm>>
      tpu.enqueue_dma source(%dma_start3A_143 : memref<56xi32, #tpu.memory_space<hbm>>) target(%dma_start3A_142 : memref<56xi32, #tpu.memory_space<vmem>>) target_semaphore(%run_scoped3A : memref<!tpu.dma_semaphore, #tpu.memory_space<semaphore_mem>>)
      %dma_wait3A = arith.constant 0 : i32
      %dma_wait3A_144 = tpu.memref_slice %arg12[%dma_wait3A] : memref<1288xi32, #tpu.memory_space<vmem>> -> memref<56xi32, #tpu.memory_space<vmem>>
      %dma_wait3A_145 = tpu.memref_slice %arg5[%mul3A_49] : memref<728xi32, #tpu.memory_space<hbm>> -> memref<56xi32, #tpu.memory_space<hbm>>
      %dma_wait3A_146 = arith.constant 0 : i32
      %dma_wait3A_147 = tpu.memref_slice %arg12[%dma_wait3A_146] : memref<1288xi32, #tpu.memory_space<vmem>> -> memref<56xi32, #tpu.memory_space<vmem>>
      %dma_wait3A_148 = tpu.memref_slice %arg5[%mul3A_49] : memref<728xi32, #tpu.memory_space<hbm>> -> memref<56xi32, #tpu.memory_space<hbm>>
      tpu.wait_dma2 semaphore(%run_scoped3A : memref<!tpu.dma_semaphore, #tpu.memory_space<semaphore_mem>>) src(%dma_wait3A_148 : memref<56xi32, #tpu.memory_space<hbm>>) dst(%dma_wait3A_147 : memref<56xi32, #tpu.memory_space<vmem>>)
      tpu.yield
    }) : () -> ()
    %scan3A_50 = arith.constant 0 : i32
    %scan3A_51 = arith.constant 0 : i32
    %mul3A_52 = arith.constant 2 : i32
    %mul3A_53 = arith.muli %scan3A_51, %mul3A_52 : i32
    %add3A_54 = arith.constant 0 : i32
    %add3A_55 = arith.addi %mul3A_53, %add3A_54 : i32
    %lt3A_56 = arith.cmpi slt, %add3A_55, %add3A_42 : i32
    %convert_element_type3A_57 = arith.extui %lt3A_56 : i1 to i32
    %cond3A_58 = arith.constant 0 : i32
    %cond3A_59 = arith.cmpi ne, %convert_element_type3A_57, %cond3A_58 : i32
    scf.if %cond3A_59 {
      %ge3A_139 = arith.constant 2 : i32
      %ge3A_140 = arith.cmpi sge, %add3A_55, %ge3A_139 : i32
      %convert_element_type3A_141 = arith.extui %ge3A_140 : i1 to i32
      %cond3A_142 = arith.constant 0 : i32
      %cond3A_143 = arith.cmpi ne, %convert_element_type3A_141, %cond3A_142 : i32
      scf.if %cond3A_143 {
        %dma_wait3A_159 = arith.constant 0 : i32
        %dma_wait3A_160 = arith.constant 0 : i32
        %dma_wait3A_161 = tpu.memref_slice %arg9[%dma_wait3A_159, %dma_wait3A_160] : memref<672x1024xf32, #tpu.memory_space<hbm>> -> memref<56x1024xf32, #tpu.memory_space<hbm>>
        %dma_wait3A_162 = arith.constant 0 : i32
        %dma_wait3A_163 = arith.constant 0 : i32
        %dma_wait3A_164 = tpu.memref_slice %arg9[%dma_wait3A_162, %dma_wait3A_163] : memref<672x1024xf32, #tpu.memory_space<hbm>> -> memref<56x1024xf32, #tpu.memory_space<hbm>>
        tpu.wait_dma2 semaphore(%arg16 : memref<!tpu.dma_semaphore, #tpu.memory_space<semaphore_mem>>) src(%dma_wait3A_164 : memref<56x1024xf32, #tpu.memory_space<hbm>>) dst(%arg13 : memref<56x1024xf32, #tpu.memory_space<vmem>>)
      } else {
      }
      %mul3A_144 = arith.constant 56 : i32
      %mul3A_145 = arith.muli %add3A_55, %mul3A_144 : i32
      %dma_start3A = tpu.memref_slice %arg12[%mul3A_145] : memref<1288xi32, #tpu.memory_space<vmem>> -> memref<56xi32, #tpu.memory_space<vmem>>
      %dma_start3A_146 = arith.constant 0 : i32
      %dma_start3A_147 = arith.constant 0 : i32
      %dma_start3A_148 = tpu.memref_slice %arg2[%dma_start3A_146, %dma_start3A_147] : memref<16384x1024xf32, #tpu.memory_space<hbm>> -> memref<16384x1024xf32, #tpu.memory_space<hbm>>
      tpu.enqueue_indirect_dma source(%dma_start3A_148 : memref<16384x1024xf32, #tpu.memory_space<hbm>>) target(%arg13 : memref<56x1024xf32, #tpu.memory_space<vmem>>) offsets(%dma_start3A : memref<56xi32, #tpu.memory_space<vmem>>) semaphore(%arg15 : memref<!tpu.dma_semaphore, #tpu.memory_space<semaphore_mem>>)
      %dma_wait3A = tpu.memref_slice %arg12[%mul3A_145] : memref<1288xi32, #tpu.memory_space<vmem>> -> memref<56xi32, #tpu.memory_space<vmem>>
      %dma_wait3A_149 = arith.constant 0 : i32
      %dma_wait3A_150 = arith.constant 0 : i32
      %dma_wait3A_151 = tpu.memref_slice %arg2[%dma_wait3A_149, %dma_wait3A_150] : memref<16384x1024xf32, #tpu.memory_space<hbm>> -> memref<16384x1024xf32, #tpu.memory_space<hbm>>
      tpu.wait_indirect_dma semaphore(%arg15 : memref<!tpu.dma_semaphore, #tpu.memory_space<semaphore_mem>>) src(%dma_wait3A_151 : memref<16384x1024xf32, #tpu.memory_space<hbm>>) dst(%arg13 : memref<56x1024xf32, #tpu.memory_space<vmem>>)
      %add3A_152 = arith.addi %add3A_47, %add3A_55 : i32
      %mul3A_153 = arith.constant 56 : i32
      %mul3A_154 = arith.muli %add3A_152, %mul3A_153 : i32
      %dma_start3A_155 = arith.constant 0 : i32
      %dma_start3A_156 = tpu.memref_slice %arg9[%mul3A_154, %dma_start3A_155] : memref<672x1024xf32, #tpu.memory_space<hbm>> -> memref<56x1024xf32, #tpu.memory_space<hbm>>
      %dma_start3A_157 = arith.constant 0 : i32
      %dma_start3A_158 = tpu.memref_slice %arg9[%mul3A_154, %dma_start3A_157] : memref<672x1024xf32, #tpu.memory_space<hbm>> -> memref<56x1024xf32, #tpu.memory_space<hbm>>
      tpu.enqueue_dma source(%arg13 : memref<56x1024xf32, #tpu.memory_space<vmem>>) target(%dma_start3A_158 : memref<56x1024xf32, #tpu.memory_space<hbm>>) target_semaphore(%arg16 : memref<!tpu.dma_semaphore, #tpu.memory_space<semaphore_mem>>)
    } else {
    }
    %mul3A_60 = arith.constant 2 : i32
    %mul3A_61 = arith.muli %scan3A_51, %mul3A_60 : i32
    %add3A_62 = arith.constant 1 : i32
    %add3A_63 = arith.addi %mul3A_61, %add3A_62 : i32
    %lt3A_64 = arith.cmpi slt, %add3A_63, %add3A_42 : i32
    %convert_element_type3A_65 = arith.extui %lt3A_64 : i1 to i32
    %cond3A_66 = arith.constant 0 : i32
    %cond3A_67 = arith.cmpi ne, %convert_element_type3A_65, %cond3A_66 : i32
    scf.if %cond3A_67 {
      %ge3A_139 = arith.constant 2 : i32
      %ge3A_140 = arith.cmpi sge, %add3A_63, %ge3A_139 : i32
      %convert_element_type3A_141 = arith.extui %ge3A_140 : i1 to i32
      %cond3A_142 = arith.constant 0 : i32
      %cond3A_143 = arith.cmpi ne, %convert_element_type3A_141, %cond3A_142 : i32
      scf.if %cond3A_143 {
        %dma_wait3A_159 = arith.constant 0 : i32
        %dma_wait3A_160 = arith.constant 0 : i32
        %dma_wait3A_161 = tpu.memref_slice %arg9[%dma_wait3A_159, %dma_wait3A_160] : memref<672x1024xf32, #tpu.memory_space<hbm>> -> memref<56x1024xf32, #tpu.memory_space<hbm>>
        %dma_wait3A_162 = arith.constant 0 : i32
        %dma_wait3A_163 = arith.constant 0 : i32
        %dma_wait3A_164 = tpu.memref_slice %arg9[%dma_wait3A_162, %dma_wait3A_163] : memref<672x1024xf32, #tpu.memory_space<hbm>> -> memref<56x1024xf32, #tpu.memory_space<hbm>>
        tpu.wait_dma2 semaphore(%arg17 : memref<!tpu.dma_semaphore, #tpu.memory_space<semaphore_mem>>) src(%dma_wait3A_164 : memref<56x1024xf32, #tpu.memory_space<hbm>>) dst(%arg14 : memref<56x1024xf32, #tpu.memory_space<vmem>>)
      } else {
      }
      %mul3A_144 = arith.constant 56 : i32
      %mul3A_145 = arith.muli %add3A_63, %mul3A_144 : i32
      %dma_start3A = tpu.memref_slice %arg12[%mul3A_145] : memref<1288xi32, #tpu.memory_space<vmem>> -> memref<56xi32, #tpu.memory_space<vmem>>
      %dma_start3A_146 = arith.constant 0 : i32
      %dma_start3A_147 = arith.constant 0 : i32
      %dma_start3A_148 = tpu.memref_slice %arg2[%dma_start3A_146, %dma_start3A_147] : memref<16384x1024xf32, #tpu.memory_space<hbm>> -> memref<16384x1024xf32, #tpu.memory_space<hbm>>
      tpu.enqueue_indirect_dma source(%dma_start3A_148 : memref<16384x1024xf32, #tpu.memory_space<hbm>>) target(%arg14 : memref<56x1024xf32, #tpu.memory_space<vmem>>) offsets(%dma_start3A : memref<56xi32, #tpu.memory_space<vmem>>) semaphore(%arg15 : memref<!tpu.dma_semaphore, #tpu.memory_space<semaphore_mem>>)
      %dma_wait3A = tpu.memref_slice %arg12[%mul3A_145] : memref<1288xi32, #tpu.memory_space<vmem>> -> memref<56xi32, #tpu.memory_space<vmem>>
      %dma_wait3A_149 = arith.constant 0 : i32
      %dma_wait3A_150 = arith.constant 0 : i32
      %dma_wait3A_151 = tpu.memref_slice %arg2[%dma_wait3A_149, %dma_wait3A_150] : memref<16384x1024xf32, #tpu.memory_space<hbm>> -> memref<16384x1024xf32, #tpu.memory_space<hbm>>
      tpu.wait_indirect_dma semaphore(%arg15 : memref<!tpu.dma_semaphore, #tpu.memory_space<semaphore_mem>>) src(%dma_wait3A_151 : memref<16384x1024xf32, #tpu.memory_space<hbm>>) dst(%arg14 : memref<56x1024xf32, #tpu.memory_space<vmem>>)
      %add3A_152 = arith.addi %add3A_47, %add3A_63 : i32
      %mul3A_153 = arith.constant 56 : i32
      %mul3A_154 = arith.muli %add3A_152, %mul3A_153 : i32
      %dma_start3A_155 = arith.constant 0 : i32
      %dma_start3A_156 = tpu.memref_slice %arg9[%mul3A_154, %dma_start3A_155] : memref<672x1024xf32, #tpu.memory_space<hbm>> -> memref<56x1024xf32, #tpu.memory_space<hbm>>
      %dma_start3A_157 = arith.constant 0 : i32
      %dma_start3A_158 = tpu.memref_slice %arg9[%mul3A_154, %dma_start3A_157] : memref<672x1024xf32, #tpu.memory_space<hbm>> -> memref<56x1024xf32, #tpu.memory_space<hbm>>
      tpu.enqueue_dma source(%arg14 : memref<56x1024xf32, #tpu.memory_space<vmem>>) target(%dma_start3A_158 : memref<56x1024xf32, #tpu.memory_space<hbm>>) target_semaphore(%arg17 : memref<!tpu.dma_semaphore, #tpu.memory_space<semaphore_mem>>)
    } else {
    }
    %scan3A_68 = arith.constant 1 : i32
    %ge3A_69 = arith.constant 1 : i32
    %ge3A_70 = arith.cmpi sge, %add3A_42, %ge3A_69 : i32
    %convert_element_type3A_71 = arith.extui %ge3A_70 : i1 to i32
    %cond3A_72 = arith.constant 0 : i32
    %cond3A_73 = arith.cmpi ne, %convert_element_type3A_71, %cond3A_72 : i32
    scf.if %cond3A_73 {
      %dma_wait3A = arith.constant 0 : i32
      %dma_wait3A_139 = arith.constant 0 : i32
      %dma_wait3A_140 = tpu.memref_slice %arg9[%dma_wait3A, %dma_wait3A_139] : memref<672x1024xf32, #tpu.memory_space<hbm>> -> memref<56x1024xf32, #tpu.memory_space<hbm>>
      %dma_wait3A_141 = arith.constant 0 : i32
      %dma_wait3A_142 = arith.constant 0 : i32
      %dma_wait3A_143 = tpu.memref_slice %arg9[%dma_wait3A_141, %dma_wait3A_142] : memref<672x1024xf32, #tpu.memory_space<hbm>> -> memref<56x1024xf32, #tpu.memory_space<hbm>>
      tpu.wait_dma2 semaphore(%arg16 : memref<!tpu.dma_semaphore, #tpu.memory_space<semaphore_mem>>) src(%dma_wait3A_143 : memref<56x1024xf32, #tpu.memory_space<hbm>>) dst(%arg13 : memref<56x1024xf32, #tpu.memory_space<vmem>>)
    } else {
    }
    %ge3A_74 = arith.constant 2 : i32
    %ge3A_75 = arith.cmpi sge, %add3A_42, %ge3A_74 : i32
    %convert_element_type3A_76 = arith.extui %ge3A_75 : i1 to i32
    %cond3A_77 = arith.constant 0 : i32
    %cond3A_78 = arith.cmpi ne, %convert_element_type3A_76, %cond3A_77 : i32
    scf.if %cond3A_78 {
      %dma_wait3A = arith.constant 0 : i32
      %dma_wait3A_139 = arith.constant 0 : i32
      %dma_wait3A_140 = tpu.memref_slice %arg9[%dma_wait3A, %dma_wait3A_139] : memref<672x1024xf32, #tpu.memory_space<hbm>> -> memref<56x1024xf32, #tpu.memory_space<hbm>>
      %dma_wait3A_141 = arith.constant 0 : i32
      %dma_wait3A_142 = arith.constant 0 : i32
      %dma_wait3A_143 = tpu.memref_slice %arg9[%dma_wait3A_141, %dma_wait3A_142] : memref<672x1024xf32, #tpu.memory_space<hbm>> -> memref<56x1024xf32, #tpu.memory_space<hbm>>
      tpu.wait_dma2 semaphore(%arg17 : memref<!tpu.dma_semaphore, #tpu.memory_space<semaphore_mem>>) src(%dma_wait3A_143 : memref<56x1024xf32, #tpu.memory_space<hbm>>) dst(%arg14 : memref<56x1024xf32, #tpu.memory_space<vmem>>)
    } else {
    }
    %lt3A_79 = arith.constant 16 : i32
    %lt3A_80 = arith.cmpi slt, %add3A, %lt3A_79 : i32
    %jit3A_81 = arith.constant 1 : i32
    %jit3A_82 = arith.constant 0 : i32
    %select_n3A_83 = arith.select %lt3A_80, %jit3A_81, %jit3A_82 : i32
    %add3A_84 = arith.constant 4 : i32
    %add3A_85 = arith.addi %add3A_84, %select_n3A_83 : i32
    %mul3A_86 = arith.constant 4 : i32
    %mul3A_87 = arith.muli %add3A, %mul3A_86 : i32
    %min3A_88 = arith.constant 16 : i32
    %min3A_89 = arith.minsi %add3A, %min3A_88 : i32
    %add3A_90 = arith.addi %mul3A_87, %min3A_89 : i32
    %mul3A_91 = arith.constant 56 : i32
    %mul3A_92 = arith.muli %add3A_90, %mul3A_91 : i32
    "tpu.region"() ({
      %run_scoped3A = tpu.sem_alloc : memref<!tpu.dma_semaphore, #tpu.memory_space<semaphore_mem>>
      %dma_start3A = arith.constant 0 : i32
      %dma_start3A_139 = tpu.memref_slice %arg12[%dma_start3A] : memref<1288xi32, #tpu.memory_space<vmem>> -> memref<280xi32, #tpu.memory_space<vmem>>
      %dma_start3A_140 = tpu.memref_slice %arg6[%mul3A_92] : memref<8344xi32, #tpu.memory_space<hbm>> -> memref<280xi32, #tpu.memory_space<hbm>>
      %dma_start3A_141 = arith.constant 0 : i32
      %dma_start3A_142 = tpu.memref_slice %arg12[%dma_start3A_141] : memref<1288xi32, #tpu.memory_space<vmem>> -> memref<280xi32, #tpu.memory_space<vmem>>
      %dma_start3A_143 = tpu.memref_slice %arg6[%mul3A_92] : memref<8344xi32, #tpu.memory_space<hbm>> -> memref<280xi32, #tpu.memory_space<hbm>>
      tpu.enqueue_dma source(%dma_start3A_143 : memref<280xi32, #tpu.memory_space<hbm>>) target(%dma_start3A_142 : memref<280xi32, #tpu.memory_space<vmem>>) target_semaphore(%run_scoped3A : memref<!tpu.dma_semaphore, #tpu.memory_space<semaphore_mem>>)
      %dma_wait3A = arith.constant 0 : i32
      %dma_wait3A_144 = tpu.memref_slice %arg12[%dma_wait3A] : memref<1288xi32, #tpu.memory_space<vmem>> -> memref<280xi32, #tpu.memory_space<vmem>>
      %dma_wait3A_145 = tpu.memref_slice %arg6[%mul3A_92] : memref<8344xi32, #tpu.memory_space<hbm>> -> memref<280xi32, #tpu.memory_space<hbm>>
      %dma_wait3A_146 = arith.constant 0 : i32
      %dma_wait3A_147 = tpu.memref_slice %arg12[%dma_wait3A_146] : memref<1288xi32, #tpu.memory_space<vmem>> -> memref<280xi32, #tpu.memory_space<vmem>>
      %dma_wait3A_148 = tpu.memref_slice %arg6[%mul3A_92] : memref<8344xi32, #tpu.memory_space<hbm>> -> memref<280xi32, #tpu.memory_space<hbm>>
      tpu.wait_dma2 semaphore(%run_scoped3A : memref<!tpu.dma_semaphore, #tpu.memory_space<semaphore_mem>>) src(%dma_wait3A_148 : memref<280xi32, #tpu.memory_space<hbm>>) dst(%dma_wait3A_147 : memref<280xi32, #tpu.memory_space<vmem>>)
      tpu.yield
    }) : () -> ()
    %scan3A_93 = arith.constant 0 : i32
    %scan3A_94 = arith.constant 0 : i32
    %scan3A_95 = arith.constant 3 : i32
    %scan3A_96 = arith.addi %scan3A_94, %scan3A_95 : i32
    %scan3A_97 = arith.constant 1 : i32
    scf.for %scan3A_139 = %scan3A_94 to %scan3A_96 step %scan3A_97  : i32 {
      %mul3A_140 = arith.constant 2 : i32
      %mul3A_141 = arith.muli %scan3A_139, %mul3A_140 : i32
      %add3A_142 = arith.constant 0 : i32
      %add3A_143 = arith.addi %mul3A_141, %add3A_142 : i32
      %lt3A_144 = arith.cmpi slt, %add3A_143, %add3A_85 : i32
      %convert_element_type3A_145 = arith.extui %lt3A_144 : i1 to i32
      %cond3A_146 = arith.constant 0 : i32
      %cond3A_147 = arith.cmpi ne, %convert_element_type3A_145, %cond3A_146 : i32
      scf.if %cond3A_147 {
        %ge3A_156 = arith.constant 2 : i32
        %ge3A_157 = arith.cmpi sge, %add3A_143, %ge3A_156 : i32
        %convert_element_type3A_158 = arith.extui %ge3A_157 : i1 to i32
        %cond3A_159 = arith.constant 0 : i32
        %cond3A_160 = arith.cmpi ne, %convert_element_type3A_158, %cond3A_159 : i32
        scf.if %cond3A_160 {
          %dma_wait3A_176 = arith.constant 0 : i32
          %dma_wait3A_177 = arith.constant 0 : i32
          %dma_wait3A_178 = tpu.memref_slice %arg10[%dma_wait3A_176, %dma_wait3A_177] : memref<8064x1024xf32, #tpu.memory_space<hbm>> -> memref<56x1024xf32, #tpu.memory_space<hbm>>
          %dma_wait3A_179 = arith.constant 0 : i32
          %dma_wait3A_180 = arith.constant 0 : i32
          %dma_wait3A_181 = tpu.memref_slice %arg10[%dma_wait3A_179, %dma_wait3A_180] : memref<8064x1024xf32, #tpu.memory_space<hbm>> -> memref<56x1024xf32, #tpu.memory_space<hbm>>
          tpu.wait_dma2 semaphore(%arg16 : memref<!tpu.dma_semaphore, #tpu.memory_space<semaphore_mem>>) src(%dma_wait3A_181 : memref<56x1024xf32, #tpu.memory_space<hbm>>) dst(%arg13 : memref<56x1024xf32, #tpu.memory_space<vmem>>)
        } else {
        }
        %mul3A_161 = arith.constant 56 : i32
        %mul3A_162 = arith.muli %add3A_143, %mul3A_161 : i32
        %dma_start3A = tpu.memref_slice %arg12[%mul3A_162] : memref<1288xi32, #tpu.memory_space<vmem>> -> memref<56xi32, #tpu.memory_space<vmem>>
        %dma_start3A_163 = arith.constant 0 : i32
        %dma_start3A_164 = arith.constant 0 : i32
        %dma_start3A_165 = tpu.memref_slice %arg2[%dma_start3A_163, %dma_start3A_164] : memref<16384x1024xf32, #tpu.memory_space<hbm>> -> memref<16384x1024xf32, #tpu.memory_space<hbm>>
        tpu.enqueue_indirect_dma source(%dma_start3A_165 : memref<16384x1024xf32, #tpu.memory_space<hbm>>) target(%arg13 : memref<56x1024xf32, #tpu.memory_space<vmem>>) offsets(%dma_start3A : memref<56xi32, #tpu.memory_space<vmem>>) semaphore(%arg15 : memref<!tpu.dma_semaphore, #tpu.memory_space<semaphore_mem>>)
        %dma_wait3A = tpu.memref_slice %arg12[%mul3A_162] : memref<1288xi32, #tpu.memory_space<vmem>> -> memref<56xi32, #tpu.memory_space<vmem>>
        %dma_wait3A_166 = arith.constant 0 : i32
        %dma_wait3A_167 = arith.constant 0 : i32
        %dma_wait3A_168 = tpu.memref_slice %arg2[%dma_wait3A_166, %dma_wait3A_167] : memref<16384x1024xf32, #tpu.memory_space<hbm>> -> memref<16384x1024xf32, #tpu.memory_space<hbm>>
        tpu.wait_indirect_dma semaphore(%arg15 : memref<!tpu.dma_semaphore, #tpu.memory_space<semaphore_mem>>) src(%dma_wait3A_168 : memref<16384x1024xf32, #tpu.memory_space<hbm>>) dst(%arg13 : memref<56x1024xf32, #tpu.memory_space<vmem>>)
        %add3A_169 = arith.addi %add3A_90, %add3A_143 : i32
        %mul3A_170 = arith.constant 56 : i32
        %mul3A_171 = arith.muli %add3A_169, %mul3A_170 : i32
        %dma_start3A_172 = arith.constant 0 : i32
        %dma_start3A_173 = tpu.memref_slice %arg10[%mul3A_171, %dma_start3A_172] : memref<8064x1024xf32, #tpu.memory_space<hbm>> -> memref<56x1024xf32, #tpu.memory_space<hbm>>
        %dma_start3A_174 = arith.constant 0 : i32
        %dma_start3A_175 = tpu.memref_slice %arg10[%mul3A_171, %dma_start3A_174] : memref<8064x1024xf32, #tpu.memory_space<hbm>> -> memref<56x1024xf32, #tpu.memory_space<hbm>>
        tpu.enqueue_dma source(%arg13 : memref<56x1024xf32, #tpu.memory_space<vmem>>) target(%dma_start3A_175 : memref<56x1024xf32, #tpu.memory_space<hbm>>) target_semaphore(%arg16 : memref<!tpu.dma_semaphore, #tpu.memory_space<semaphore_mem>>)
      } else {
      }
      %mul3A_148 = arith.constant 2 : i32
      %mul3A_149 = arith.muli %scan3A_139, %mul3A_148 : i32
      %add3A_150 = arith.constant 1 : i32
      %add3A_151 = arith.addi %mul3A_149, %add3A_150 : i32
      %lt3A_152 = arith.cmpi slt, %add3A_151, %add3A_85 : i32
      %convert_element_type3A_153 = arith.extui %lt3A_152 : i1 to i32
      %cond3A_154 = arith.constant 0 : i32
      %cond3A_155 = arith.cmpi ne, %convert_element_type3A_153, %cond3A_154 : i32
      scf.if %cond3A_155 {
        %ge3A_156 = arith.constant 2 : i32
        %ge3A_157 = arith.cmpi sge, %add3A_151, %ge3A_156 : i32
        %convert_element_type3A_158 = arith.extui %ge3A_157 : i1 to i32
        %cond3A_159 = arith.constant 0 : i32
        %cond3A_160 = arith.cmpi ne, %convert_element_type3A_158, %cond3A_159 : i32
        scf.if %cond3A_160 {
          %dma_wait3A_176 = arith.constant 0 : i32
          %dma_wait3A_177 = arith.constant 0 : i32
          %dma_wait3A_178 = tpu.memref_slice %arg10[%dma_wait3A_176, %dma_wait3A_177] : memref<8064x1024xf32, #tpu.memory_space<hbm>> -> memref<56x1024xf32, #tpu.memory_space<hbm>>
          %dma_wait3A_179 = arith.constant 0 : i32
          %dma_wait3A_180 = arith.constant 0 : i32
          %dma_wait3A_181 = tpu.memref_slice %arg10[%dma_wait3A_179, %dma_wait3A_180] : memref<8064x1024xf32, #tpu.memory_space<hbm>> -> memref<56x1024xf32, #tpu.memory_space<hbm>>
          tpu.wait_dma2 semaphore(%arg17 : memref<!tpu.dma_semaphore, #tpu.memory_space<semaphore_mem>>) src(%dma_wait3A_181 : memref<56x1024xf32, #tpu.memory_space<hbm>>) dst(%arg14 : memref<56x1024xf32, #tpu.memory_space<vmem>>)
        } else {
        }
        %mul3A_161 = arith.constant 56 : i32
        %mul3A_162 = arith.muli %add3A_151, %mul3A_161 : i32
        %dma_start3A = tpu.memref_slice %arg12[%mul3A_162] : memref<1288xi32, #tpu.memory_space<vmem>> -> memref<56xi32, #tpu.memory_space<vmem>>
        %dma_start3A_163 = arith.constant 0 : i32
        %dma_start3A_164 = arith.constant 0 : i32
        %dma_start3A_165 = tpu.memref_slice %arg2[%dma_start3A_163, %dma_start3A_164] : memref<16384x1024xf32, #tpu.memory_space<hbm>> -> memref<16384x1024xf32, #tpu.memory_space<hbm>>
        tpu.enqueue_indirect_dma source(%dma_start3A_165 : memref<16384x1024xf32, #tpu.memory_space<hbm>>) target(%arg14 : memref<56x1024xf32, #tpu.memory_space<vmem>>) offsets(%dma_start3A : memref<56xi32, #tpu.memory_space<vmem>>) semaphore(%arg15 : memref<!tpu.dma_semaphore, #tpu.memory_space<semaphore_mem>>)
        %dma_wait3A = tpu.memref_slice %arg12[%mul3A_162] : memref<1288xi32, #tpu.memory_space<vmem>> -> memref<56xi32, #tpu.memory_space<vmem>>
        %dma_wait3A_166 = arith.constant 0 : i32
        %dma_wait3A_167 = arith.constant 0 : i32
        %dma_wait3A_168 = tpu.memref_slice %arg2[%dma_wait3A_166, %dma_wait3A_167] : memref<16384x1024xf32, #tpu.memory_space<hbm>> -> memref<16384x1024xf32, #tpu.memory_space<hbm>>
        tpu.wait_indirect_dma semaphore(%arg15 : memref<!tpu.dma_semaphore, #tpu.memory_space<semaphore_mem>>) src(%dma_wait3A_168 : memref<16384x1024xf32, #tpu.memory_space<hbm>>) dst(%arg14 : memref<56x1024xf32, #tpu.memory_space<vmem>>)
        %add3A_169 = arith.addi %add3A_90, %add3A_151 : i32
        %mul3A_170 = arith.constant 56 : i32
        %mul3A_171 = arith.muli %add3A_169, %mul3A_170 : i32
        %dma_start3A_172 = arith.constant 0 : i32
        %dma_start3A_173 = tpu.memref_slice %arg10[%mul3A_171, %dma_start3A_172] : memref<8064x1024xf32, #tpu.memory_space<hbm>> -> memref<56x1024xf32, #tpu.memory_space<hbm>>
        %dma_start3A_174 = arith.constant 0 : i32
        %dma_start3A_175 = tpu.memref_slice %arg10[%mul3A_171, %dma_start3A_174] : memref<8064x1024xf32, #tpu.memory_space<hbm>> -> memref<56x1024xf32, #tpu.memory_space<hbm>>
        tpu.enqueue_dma source(%arg14 : memref<56x1024xf32, #tpu.memory_space<vmem>>) target(%dma_start3A_175 : memref<56x1024xf32, #tpu.memory_space<hbm>>) target_semaphore(%arg17 : memref<!tpu.dma_semaphore, #tpu.memory_space<semaphore_mem>>)
      } else {
      }
    }
    %scan3A_98 = arith.constant 3 : i32
    %ge3A_99 = arith.constant 1 : i32
    %ge3A_100 = arith.cmpi sge, %add3A_85, %ge3A_99 : i32
    %convert_element_type3A_101 = arith.extui %ge3A_100 : i1 to i32
    %cond3A_102 = arith.constant 0 : i32
    %cond3A_103 = arith.cmpi ne, %convert_element_type3A_101, %cond3A_102 : i32
    scf.if %cond3A_103 {
      %dma_wait3A = arith.constant 0 : i32
      %dma_wait3A_139 = arith.constant 0 : i32
      %dma_wait3A_140 = tpu.memref_slice %arg10[%dma_wait3A, %dma_wait3A_139] : memref<8064x1024xf32, #tpu.memory_space<hbm>> -> memref<56x1024xf32, #tpu.memory_space<hbm>>
      %dma_wait3A_141 = arith.constant 0 : i32
      %dma_wait3A_142 = arith.constant 0 : i32
      %dma_wait3A_143 = tpu.memref_slice %arg10[%dma_wait3A_141, %dma_wait3A_142] : memref<8064x1024xf32, #tpu.memory_space<hbm>> -> memref<56x1024xf32, #tpu.memory_space<hbm>>
      tpu.wait_dma2 semaphore(%arg16 : memref<!tpu.dma_semaphore, #tpu.memory_space<semaphore_mem>>) src(%dma_wait3A_143 : memref<56x1024xf32, #tpu.memory_space<hbm>>) dst(%arg13 : memref<56x1024xf32, #tpu.memory_space<vmem>>)
    } else {
    }
    %ge3A_104 = arith.constant 2 : i32
    %ge3A_105 = arith.cmpi sge, %add3A_85, %ge3A_104 : i32
    %convert_element_type3A_106 = arith.extui %ge3A_105 : i1 to i32
    %cond3A_107 = arith.constant 0 : i32
    %cond3A_108 = arith.cmpi ne, %convert_element_type3A_106, %cond3A_107 : i32
    scf.if %cond3A_108 {
      %dma_wait3A = arith.constant 0 : i32
      %dma_wait3A_139 = arith.constant 0 : i32
      %dma_wait3A_140 = tpu.memref_slice %arg10[%dma_wait3A, %dma_wait3A_139] : memref<8064x1024xf32, #tpu.memory_space<hbm>> -> memref<56x1024xf32, #tpu.memory_space<hbm>>
      %dma_wait3A_141 = arith.constant 0 : i32
      %dma_wait3A_142 = arith.constant 0 : i32
      %dma_wait3A_143 = tpu.memref_slice %arg10[%dma_wait3A_141, %dma_wait3A_142] : memref<8064x1024xf32, #tpu.memory_space<hbm>> -> memref<56x1024xf32, #tpu.memory_space<hbm>>
      tpu.wait_dma2 semaphore(%arg17 : memref<!tpu.dma_semaphore, #tpu.memory_space<semaphore_mem>>) src(%dma_wait3A_143 : memref<56x1024xf32, #tpu.memory_space<hbm>>) dst(%arg14 : memref<56x1024xf32, #tpu.memory_space<vmem>>)
    } else {
    }
    %lt3A_109 = arith.constant 16 : i32
    %lt3A_110 = arith.cmpi slt, %add3A, %lt3A_109 : i32
    %jit3A_111 = arith.constant 1 : i32
    %jit3A_112 = arith.constant 0 : i32
    %select_n3A_113 = arith.select %lt3A_110, %jit3A_111, %jit3A_112 : i32
    %add3A_114 = arith.constant 22 : i32
    %add3A_115 = arith.addi %add3A_114, %select_n3A_113 : i32
    %mul3A_116 = arith.constant 22 : i32
    %mul3A_117 = arith.muli %add3A, %mul3A_116 : i32
    %min3A_118 = arith.constant 16 : i32
    %min3A_119 = arith.minsi %add3A, %min3A_118 : i32
    %add3A_120 = arith.addi %mul3A_117, %min3A_119 : i32
    %mul3A_121 = arith.constant 56 : i32
    %mul3A_122 = arith.muli %add3A_120, %mul3A_121 : i32
    "tpu.region"() ({
      %run_scoped3A = tpu.sem_alloc : memref<!tpu.dma_semaphore, #tpu.memory_space<semaphore_mem>>
      %dma_start3A = arith.constant 0 : i32
      %dma_start3A_139 = tpu.memref_slice %arg12[%dma_start3A] : memref<1288xi32, #tpu.memory_space<vmem>> -> memref<1288xi32, #tpu.memory_space<vmem>>
      %dma_start3A_140 = tpu.memref_slice %arg7[%mul3A_122] : memref<41608xi32, #tpu.memory_space<hbm>> -> memref<1288xi32, #tpu.memory_space<hbm>>
      %dma_start3A_141 = arith.constant 0 : i32
      %dma_start3A_142 = tpu.memref_slice %arg12[%dma_start3A_141] : memref<1288xi32, #tpu.memory_space<vmem>> -> memref<1288xi32, #tpu.memory_space<vmem>>
      %dma_start3A_143 = tpu.memref_slice %arg7[%mul3A_122] : memref<41608xi32, #tpu.memory_space<hbm>> -> memref<1288xi32, #tpu.memory_space<hbm>>
      tpu.enqueue_dma source(%dma_start3A_143 : memref<1288xi32, #tpu.memory_space<hbm>>) target(%dma_start3A_142 : memref<1288xi32, #tpu.memory_space<vmem>>) target_semaphore(%run_scoped3A : memref<!tpu.dma_semaphore, #tpu.memory_space<semaphore_mem>>)
      %dma_wait3A = arith.constant 0 : i32
      %dma_wait3A_144 = tpu.memref_slice %arg12[%dma_wait3A] : memref<1288xi32, #tpu.memory_space<vmem>> -> memref<1288xi32, #tpu.memory_space<vmem>>
      %dma_wait3A_145 = tpu.memref_slice %arg7[%mul3A_122] : memref<41608xi32, #tpu.memory_space<hbm>> -> memref<1288xi32, #tpu.memory_space<hbm>>
      %dma_wait3A_146 = arith.constant 0 : i32
      %dma_wait3A_147 = tpu.memref_slice %arg12[%dma_wait3A_146] : memref<1288xi32, #tpu.memory_space<vmem>> -> memref<1288xi32, #tpu.memory_space<vmem>>
      %dma_wait3A_148 = tpu.memref_slice %arg7[%mul3A_122] : memref<41608xi32, #tpu.memory_space<hbm>> -> memref<1288xi32, #tpu.memory_space<hbm>>
      tpu.wait_dma2 semaphore(%run_scoped3A : memref<!tpu.dma_semaphore, #tpu.memory_space<semaphore_mem>>) src(%dma_wait3A_148 : memref<1288xi32, #tpu.memory_space<hbm>>) dst(%dma_wait3A_147 : memref<1288xi32, #tpu.memory_space<vmem>>)
      tpu.yield
    }) : () -> ()
    %scan3A_123 = arith.constant 0 : i32
    %scan3A_124 = arith.constant 0 : i32
    %scan3A_125 = arith.constant 12 : i32
    %scan3A_126 = arith.addi %scan3A_124, %scan3A_125 : i32
    %scan3A_127 = arith.constant 1 : i32
    scf.for %scan3A_139 = %scan3A_124 to %scan3A_126 step %scan3A_127  : i32 {
      %mul3A_140 = arith.constant 2 : i32
      %mul3A_141 = arith.muli %scan3A_139, %mul3A_140 : i32
      %add3A_142 = arith.constant 0 : i32
      %add3A_143 = arith.addi %mul3A_141, %add3A_142 : i32
      %lt3A_144 = arith.cmpi slt, %add3A_143, %add3A_115 : i32
      %convert_element_type3A_145 = arith.extui %lt3A_144 : i1 to i32
      %cond3A_146 = arith.constant 0 : i32
      %cond3A_147 = arith.cmpi ne, %convert_element_type3A_145, %cond3A_146 : i32
      scf.if %cond3A_147 {
        %ge3A_156 = arith.constant 2 : i32
        %ge3A_157 = arith.cmpi sge, %add3A_143, %ge3A_156 : i32
        %convert_element_type3A_158 = arith.extui %ge3A_157 : i1 to i32
        %cond3A_159 = arith.constant 0 : i32
        %cond3A_160 = arith.cmpi ne, %convert_element_type3A_158, %cond3A_159 : i32
        scf.if %cond3A_160 {
          %dma_wait3A_176 = arith.constant 0 : i32
          %dma_wait3A_177 = arith.constant 0 : i32
          %dma_wait3A_178 = tpu.memref_slice %arg11[%dma_wait3A_176, %dma_wait3A_177] : memref<40320x1024xf32, #tpu.memory_space<hbm>> -> memref<56x1024xf32, #tpu.memory_space<hbm>>
          %dma_wait3A_179 = arith.constant 0 : i32
          %dma_wait3A_180 = arith.constant 0 : i32
          %dma_wait3A_181 = tpu.memref_slice %arg11[%dma_wait3A_179, %dma_wait3A_180] : memref<40320x1024xf32, #tpu.memory_space<hbm>> -> memref<56x1024xf32, #tpu.memory_space<hbm>>
          tpu.wait_dma2 semaphore(%arg16 : memref<!tpu.dma_semaphore, #tpu.memory_space<semaphore_mem>>) src(%dma_wait3A_181 : memref<56x1024xf32, #tpu.memory_space<hbm>>) dst(%arg13 : memref<56x1024xf32, #tpu.memory_space<vmem>>)
        } else {
        }
        %mul3A_161 = arith.constant 56 : i32
        %mul3A_162 = arith.muli %add3A_143, %mul3A_161 : i32
        %dma_start3A = tpu.memref_slice %arg12[%mul3A_162] : memref<1288xi32, #tpu.memory_space<vmem>> -> memref<56xi32, #tpu.memory_space<vmem>>
        %dma_start3A_163 = arith.constant 0 : i32
        %dma_start3A_164 = arith.constant 0 : i32
        %dma_start3A_165 = tpu.memref_slice %arg2[%dma_start3A_163, %dma_start3A_164] : memref<16384x1024xf32, #tpu.memory_space<hbm>> -> memref<16384x1024xf32, #tpu.memory_space<hbm>>
        tpu.enqueue_indirect_dma source(%dma_start3A_165 : memref<16384x1024xf32, #tpu.memory_space<hbm>>) target(%arg13 : memref<56x1024xf32, #tpu.memory_space<vmem>>) offsets(%dma_start3A : memref<56xi32, #tpu.memory_space<vmem>>) semaphore(%arg15 : memref<!tpu.dma_semaphore, #tpu.memory_space<semaphore_mem>>)
        %dma_wait3A = tpu.memref_slice %arg12[%mul3A_162] : memref<1288xi32, #tpu.memory_space<vmem>> -> memref<56xi32, #tpu.memory_space<vmem>>
        %dma_wait3A_166 = arith.constant 0 : i32
        %dma_wait3A_167 = arith.constant 0 : i32
        %dma_wait3A_168 = tpu.memref_slice %arg2[%dma_wait3A_166, %dma_wait3A_167] : memref<16384x1024xf32, #tpu.memory_space<hbm>> -> memref<16384x1024xf32, #tpu.memory_space<hbm>>
        tpu.wait_indirect_dma semaphore(%arg15 : memref<!tpu.dma_semaphore, #tpu.memory_space<semaphore_mem>>) src(%dma_wait3A_168 : memref<16384x1024xf32, #tpu.memory_space<hbm>>) dst(%arg13 : memref<56x1024xf32, #tpu.memory_space<vmem>>)
        %add3A_169 = arith.addi %add3A_120, %add3A_143 : i32
        %mul3A_170 = arith.constant 56 : i32
        %mul3A_171 = arith.muli %add3A_169, %mul3A_170 : i32
        %dma_start3A_172 = arith.constant 0 : i32
        %dma_start3A_173 = tpu.memref_slice %arg11[%mul3A_171, %dma_start3A_172] : memref<40320x1024xf32, #tpu.memory_space<hbm>> -> memref<56x1024xf32, #tpu.memory_space<hbm>>
        %dma_start3A_174 = arith.constant 0 : i32
        %dma_start3A_175 = tpu.memref_slice %arg11[%mul3A_171, %dma_start3A_174] : memref<40320x1024xf32, #tpu.memory_space<hbm>> -> memref<56x1024xf32, #tpu.memory_space<hbm>>
        tpu.enqueue_dma source(%arg13 : memref<56x1024xf32, #tpu.memory_space<vmem>>) target(%dma_start3A_175 : memref<56x1024xf32, #tpu.memory_space<hbm>>) target_semaphore(%arg16 : memref<!tpu.dma_semaphore, #tpu.memory_space<semaphore_mem>>)
      } else {
      }
      %mul3A_148 = arith.constant 2 : i32
      %mul3A_149 = arith.muli %scan3A_139, %mul3A_148 : i32
      %add3A_150 = arith.constant 1 : i32
      %add3A_151 = arith.addi %mul3A_149, %add3A_150 : i32
      %lt3A_152 = arith.cmpi slt, %add3A_151, %add3A_115 : i32
      %convert_element_type3A_153 = arith.extui %lt3A_152 : i1 to i32
      %cond3A_154 = arith.constant 0 : i32
      %cond3A_155 = arith.cmpi ne, %convert_element_type3A_153, %cond3A_154 : i32
      scf.if %cond3A_155 {
        %ge3A_156 = arith.constant 2 : i32
        %ge3A_157 = arith.cmpi sge, %add3A_151, %ge3A_156 : i32
        %convert_element_type3A_158 = arith.extui %ge3A_157 : i1 to i32
        %cond3A_159 = arith.constant 0 : i32
        %cond3A_160 = arith.cmpi ne, %convert_element_type3A_158, %cond3A_159 : i32
        scf.if %cond3A_160 {
          %dma_wait3A_176 = arith.constant 0 : i32
          %dma_wait3A_177 = arith.constant 0 : i32
          %dma_wait3A_178 = tpu.memref_slice %arg11[%dma_wait3A_176, %dma_wait3A_177] : memref<40320x1024xf32, #tpu.memory_space<hbm>> -> memref<56x1024xf32, #tpu.memory_space<hbm>>
          %dma_wait3A_179 = arith.constant 0 : i32
          %dma_wait3A_180 = arith.constant 0 : i32
          %dma_wait3A_181 = tpu.memref_slice %arg11[%dma_wait3A_179, %dma_wait3A_180] : memref<40320x1024xf32, #tpu.memory_space<hbm>> -> memref<56x1024xf32, #tpu.memory_space<hbm>>
          tpu.wait_dma2 semaphore(%arg17 : memref<!tpu.dma_semaphore, #tpu.memory_space<semaphore_mem>>) src(%dma_wait3A_181 : memref<56x1024xf32, #tpu.memory_space<hbm>>) dst(%arg14 : memref<56x1024xf32, #tpu.memory_space<vmem>>)
        } else {
        }
        %mul3A_161 = arith.constant 56 : i32
        %mul3A_162 = arith.muli %add3A_151, %mul3A_161 : i32
        %dma_start3A = tpu.memref_slice %arg12[%mul3A_162] : memref<1288xi32, #tpu.memory_space<vmem>> -> memref<56xi32, #tpu.memory_space<vmem>>
        %dma_start3A_163 = arith.constant 0 : i32
        %dma_start3A_164 = arith.constant 0 : i32
        %dma_start3A_165 = tpu.memref_slice %arg2[%dma_start3A_163, %dma_start3A_164] : memref<16384x1024xf32, #tpu.memory_space<hbm>> -> memref<16384x1024xf32, #tpu.memory_space<hbm>>
        tpu.enqueue_indirect_dma source(%dma_start3A_165 : memref<16384x1024xf32, #tpu.memory_space<hbm>>) target(%arg14 : memref<56x1024xf32, #tpu.memory_space<vmem>>) offsets(%dma_start3A : memref<56xi32, #tpu.memory_space<vmem>>) semaphore(%arg15 : memref<!tpu.dma_semaphore, #tpu.memory_space<semaphore_mem>>)
        %dma_wait3A = tpu.memref_slice %arg12[%mul3A_162] : memref<1288xi32, #tpu.memory_space<vmem>> -> memref<56xi32, #tpu.memory_space<vmem>>
        %dma_wait3A_166 = arith.constant 0 : i32
        %dma_wait3A_167 = arith.constant 0 : i32
        %dma_wait3A_168 = tpu.memref_slice %arg2[%dma_wait3A_166, %dma_wait3A_167] : memref<16384x1024xf32, #tpu.memory_space<hbm>> -> memref<16384x1024xf32, #tpu.memory_space<hbm>>
        tpu.wait_indirect_dma semaphore(%arg15 : memref<!tpu.dma_semaphore, #tpu.memory_space<semaphore_mem>>) src(%dma_wait3A_168 : memref<16384x1024xf32, #tpu.memory_space<hbm>>) dst(%arg14 : memref<56x1024xf32, #tpu.memory_space<vmem>>)
        %add3A_169 = arith.addi %add3A_120, %add3A_151 : i32
        %mul3A_170 = arith.constant 56 : i32
        %mul3A_171 = arith.muli %add3A_169, %mul3A_170 : i32
        %dma_start3A_172 = arith.constant 0 : i32
        %dma_start3A_173 = tpu.memref_slice %arg11[%mul3A_171, %dma_start3A_172] : memref<40320x1024xf32, #tpu.memory_space<hbm>> -> memref<56x1024xf32, #tpu.memory_space<hbm>>
        %dma_start3A_174 = arith.constant 0 : i32
        %dma_start3A_175 = tpu.memref_slice %arg11[%mul3A_171, %dma_start3A_174] : memref<40320x1024xf32, #tpu.memory_space<hbm>> -> memref<56x1024xf32, #tpu.memory_space<hbm>>
        tpu.enqueue_dma source(%arg14 : memref<56x1024xf32, #tpu.memory_space<vmem>>) target(%dma_start3A_175 : memref<56x1024xf32, #tpu.memory_space<hbm>>) target_semaphore(%arg17 : memref<!tpu.dma_semaphore, #tpu.memory_space<semaphore_mem>>)
      } else {
      }
    }
    %scan3A_128 = arith.constant 12 : i32
    %ge3A_129 = arith.constant 1 : i32
    %ge3A_130 = arith.cmpi sge, %add3A_115, %ge3A_129 : i32
    %convert_element_type3A_131 = arith.extui %ge3A_130 : i1 to i32
    %cond3A_132 = arith.constant 0 : i32
    %cond3A_133 = arith.cmpi ne, %convert_element_type3A_131, %cond3A_132 : i32
    scf.if %cond3A_133 {
      %dma_wait3A = arith.constant 0 : i32
      %dma_wait3A_139 = arith.constant 0 : i32
      %dma_wait3A_140 = tpu.memref_slice %arg11[%dma_wait3A, %dma_wait3A_139] : memref<40320x1024xf32, #tpu.memory_space<hbm>> -> memref<56x1024xf32, #tpu.memory_space<hbm>>
      %dma_wait3A_141 = arith.constant 0 : i32
      %dma_wait3A_142 = arith.constant 0 : i32
      %dma_wait3A_143 = tpu.memref_slice %arg11[%dma_wait3A_141, %dma_wait3A_142] : memref<40320x1024xf32, #tpu.memory_space<hbm>> -> memref<56x1024xf32, #tpu.memory_space<hbm>>
      tpu.wait_dma2 semaphore(%arg16 : memref<!tpu.dma_semaphore, #tpu.memory_space<semaphore_mem>>) src(%dma_wait3A_143 : memref<56x1024xf32, #tpu.memory_space<hbm>>) dst(%arg13 : memref<56x1024xf32, #tpu.memory_space<vmem>>)
    } else {
    }
    %ge3A_134 = arith.constant 2 : i32
    %ge3A_135 = arith.cmpi sge, %add3A_115, %ge3A_134 : i32
    %convert_element_type3A_136 = arith.extui %ge3A_135 : i1 to i32
    %cond3A_137 = arith.constant 0 : i32
    %cond3A_138 = arith.cmpi ne, %convert_element_type3A_136, %cond3A_137 : i32
    scf.if %cond3A_138 {
      %dma_wait3A = arith.constant 0 : i32
      %dma_wait3A_139 = arith.constant 0 : i32
      %dma_wait3A_140 = tpu.memref_slice %arg11[%dma_wait3A, %dma_wait3A_139] : memref<40320x1024xf32, #tpu.memory_space<hbm>> -> memref<56x1024xf32, #tpu.memory_space<hbm>>
      %dma_wait3A_141 = arith.constant 0 : i32
      %dma_wait3A_142 = arith.constant 0 : i32
      %dma_wait3A_143 = tpu.memref_slice %arg11[%dma_wait3A_141, %dma_wait3A_142] : memref<40320x1024xf32, #tpu.memory_space<hbm>> -> memref<56x1024xf32, #tpu.memory_space<hbm>>
      tpu.wait_dma2 semaphore(%arg17 : memref<!tpu.dma_semaphore, #tpu.memory_space<semaphore_mem>>) src(%dma_wait3A_143 : memref<56x1024xf32, #tpu.memory_space<hbm>>) dst(%arg14 : memref<56x1024xf32, #tpu.memory_space<vmem>>)
    } else {
    }
    return
  }
}

module attributes {stable_mosaic.version = 14 : i64} {
  func.func @_topk_body(%arg0: memref<4x2048xf32, #tpu.memory_space<vmem>>, %arg1: memref<4x32xi32, #tpu.memory_space<vmem>>, %arg2: memref<4x2016xi32, #tpu.memory_space<vmem>>, %arg3: memref<4x5x32xi32, #tpu.memory_space<vmem>>, %arg4: memref<4x5x2016xi32, #tpu.memory_space<vmem>>, %arg5: memref<4x32xi32, #tpu.memory_space<vmem>>, %arg6: memref<4x5x32xi32, #tpu.memory_space<vmem>>, %arg7: memref<4x2016xi32, #tpu.memory_space<vmem>>, %arg8: memref<4x5x2016xi32, #tpu.memory_space<vmem>>) attributes {dimension_semantics = [], scalar_prefetch = 0 : i64, scratch_operands = 0 : i64, tpu.core_type = #tpu.core_type<tc>} {
    %get3A = arith.constant 0 : index
    %get3A_0 = arith.constant 0 : index
    %get3A_1 = vector.load %arg0[%get3A, %get3A_0] : memref<4x2048xf32, #tpu.memory_space<vmem>>, vector<4x2048xf32>
    %iota3A = tpu.iota {dimensions = array<i32: 1>} : vector<4x2048xi32>
    %iota3A_2 = tpu.iota {dimensions = array<i32: 1>} : vector<4x32xi32>
    %broadcast_in_dim3A = arith.constant 0 : i32
    %broadcast_in_dim3A_3 = vector.broadcast %broadcast_in_dim3A : i32 to vector<4x32xi32>
    %scan3A = arith.constant -3.000000e+38 : f32
    %scan3A_4 = arith.constant 0 : i32
    %scan3A_5 = arith.constant 32 : i32
    %scan3A_6 = arith.addi %scan3A_4, %scan3A_5 : i32
    %scan3A_7 = arith.constant 1 : i32
    %scan3A_8:2 = scf.for %scan3A_324 = %scan3A_4 to %scan3A_6 step %scan3A_7 iter_args(%scan3A_325 = %get3A_1, %scan3A_326 = %broadcast_in_dim3A_3) -> (vector<4x2048xf32>, vector<4x32xi32>)  : i32 {
      %reduce_max3A = arith.constant dense<0xFF800000> : vector<4xf32>
      %reduce_max3A_327 = vector.multi_reduction <maximumf>, %scan3A_325, %reduce_max3A [1] : vector<4x2048xf32> to vector<4xf32>
      %broadcast_in_dim3A_328 = vector.shape_cast %reduce_max3A_327 : vector<4xf32> to vector<4x1xf32>
      %eq3A = vector.broadcast %broadcast_in_dim3A_328 : vector<4x1xf32> to vector<4x2048xf32>
      %eq3A_329 = arith.cmpf oeq, %scan3A_325, %eq3A : vector<4x2048xf32>
      %jit3A_330 = arith.constant 2048 : i32
      %broadcast_in_dim3A_331 = vector.broadcast %jit3A_330 : i32 to vector<4x2048xi32>
      %select_n3A = arith.select %eq3A_329, %iota3A, %broadcast_in_dim3A_331 : vector<4x2048xi1>, vector<4x2048xi32>
      %reduce_min3A = arith.constant dense<2147483647> : vector<4xi32>
      %reduce_min3A_332 = vector.multi_reduction <minsi>, %select_n3A, %reduce_min3A [1] : vector<4x2048xi32> to vector<4xi32>
      %broadcast_in_dim3A_333 = vector.shape_cast %reduce_min3A_332 : vector<4xi32> to vector<4x1xi32>
      %eq3A_334 = vector.broadcast %scan3A_324 : i32 to vector<4x32xi32>
      %eq3A_335 = arith.cmpi eq, %iota3A_2, %eq3A_334 : vector<4x32xi32>
      %broadcast_in_dim3A_336 = vector.shape_cast %broadcast_in_dim3A_333 : vector<4x1xi32> to vector<4x1xi32>
      %broadcast_in_dim3A_337 = vector.broadcast %broadcast_in_dim3A_336 : vector<4x1xi32> to vector<4x32xi32>
      %select_n3A_338 = arith.select %eq3A_335, %broadcast_in_dim3A_337, %scan3A_326 : vector<4x32xi1>, vector<4x32xi32>
      %eq3A_339 = vector.broadcast %broadcast_in_dim3A_333 : vector<4x1xi32> to vector<4x2048xi32>
      %eq3A_340 = arith.cmpi eq, %iota3A, %eq3A_339 : vector<4x2048xi32>
      %broadcast_in_dim3A_341 = vector.broadcast %scan3A : f32 to vector<4x2048xf32>
      %select_n3A_342 = arith.select %eq3A_340, %broadcast_in_dim3A_341, %scan3A_325 : vector<4x2048xi1>, vector<4x2048xf32>
      scf.yield %select_n3A_342, %select_n3A_338 : vector<4x2048xf32>, vector<4x32xi32>
    }
    %scan3A_9 = arith.constant 32 : i32
    %broadcast_in_dim3A_10 = arith.constant 0 : i32
    %broadcast_in_dim3A_11 = vector.broadcast %broadcast_in_dim3A_10 : i32 to vector<4x32xi32>
    %scan3A_12 = arith.constant 0 : i32
    %scan3A_13 = arith.constant 32 : i32
    %scan3A_14 = arith.addi %scan3A_12, %scan3A_13 : i32
    %scan3A_15 = arith.constant 1 : i32
    %scan3A_16:2 = scf.for %scan3A_324 = %scan3A_12 to %scan3A_14 step %scan3A_15 iter_args(%scan3A_325 = %scan3A_8#1, %scan3A_326 = %broadcast_in_dim3A_11) -> (vector<4x32xi32>, vector<4x32xi32>)  : i32 {
      %reduce_min3A = arith.constant dense<2147483647> : vector<4xi32>
      %reduce_min3A_327 = vector.multi_reduction <minsi>, %scan3A_325, %reduce_min3A [1] : vector<4x32xi32> to vector<4xi32>
      %broadcast_in_dim3A_328 = vector.shape_cast %reduce_min3A_327 : vector<4xi32> to vector<4x1xi32>
      %eq3A = vector.broadcast %scan3A_324 : i32 to vector<4x32xi32>
      %eq3A_329 = arith.cmpi eq, %iota3A_2, %eq3A : vector<4x32xi32>
      %broadcast_in_dim3A_330 = vector.shape_cast %broadcast_in_dim3A_328 : vector<4x1xi32> to vector<4x1xi32>
      %broadcast_in_dim3A_331 = vector.broadcast %broadcast_in_dim3A_330 : vector<4x1xi32> to vector<4x32xi32>
      %select_n3A = arith.select %eq3A_329, %broadcast_in_dim3A_331, %scan3A_326 : vector<4x32xi1>, vector<4x32xi32>
      %eq3A_332 = vector.broadcast %broadcast_in_dim3A_328 : vector<4x1xi32> to vector<4x32xi32>
      %eq3A_333 = arith.cmpi eq, %scan3A_325, %eq3A_332 : vector<4x32xi32>
      %jit3A_334 = arith.constant 2048 : i32
      %broadcast_in_dim3A_335 = vector.broadcast %jit3A_334 : i32 to vector<4x32xi32>
      %select_n3A_336 = arith.select %eq3A_333, %broadcast_in_dim3A_335, %scan3A_325 : vector<4x32xi1>, vector<4x32xi32>
      scf.yield %select_n3A_336, %select_n3A : vector<4x32xi32>, vector<4x32xi32>
    }
    %scan3A_17 = arith.constant 32 : i32
    %iota3A_18 = tpu.iota {dimensions = array<i32: 1>} : vector<4x2016xi32>
    %broadcast_in_dim3A_19 = arith.constant 0 : i32
    %broadcast_in_dim3A_20 = vector.broadcast %broadcast_in_dim3A_19 : i32 to vector<4x2016xi32>
    %scan3A_21 = arith.constant 0 : i32
    %scan3A_22 = arith.constant 32 : i32
    %scan3A_23 = arith.addi %scan3A_21, %scan3A_22 : i32
    %scan3A_24 = arith.constant 1 : i32
    %scan3A_25 = scf.for %scan3A_324 = %scan3A_21 to %scan3A_23 step %scan3A_24 iter_args(%scan3A_325 = %broadcast_in_dim3A_20) -> (vector<4x2016xi32>)  : i32 {
      %eq3A = vector.broadcast %scan3A_324 : i32 to vector<4x32xi32>
      %eq3A_326 = arith.cmpi eq, %iota3A_2, %eq3A : vector<4x32xi32>
      %jit3A_327 = arith.constant 2048 : i32
      %broadcast_in_dim3A_328 = vector.broadcast %jit3A_327 : i32 to vector<4x32xi32>
      %select_n3A = arith.select %eq3A_326, %scan3A_16#1, %broadcast_in_dim3A_328 : vector<4x32xi1>, vector<4x32xi32>
      %reduce_min3A = arith.constant dense<2147483647> : vector<4xi32>
      %reduce_min3A_329 = vector.multi_reduction <minsi>, %select_n3A, %reduce_min3A [1] : vector<4x32xi32> to vector<4xi32>
      %broadcast_in_dim3A_330 = vector.shape_cast %reduce_min3A_329 : vector<4xi32> to vector<4x1xi32>
      %add3A_331 = arith.addi %iota3A_18, %scan3A_325 : vector<4x2016xi32>
      %le3A = vector.broadcast %broadcast_in_dim3A_330 : vector<4x1xi32> to vector<4x2016xi32>
      %le3A_332 = arith.cmpi sle, %le3A, %add3A_331 : vector<4x2016xi32>
      %convert_element_type3A = arith.extui %le3A_332 : vector<4x2016xi1> to vector<4x2016xi32>
      %add3A_333 = arith.addi %scan3A_325, %convert_element_type3A : vector<4x2016xi32>
      scf.yield %add3A_333 : vector<4x2016xi32>
    }
    %scan3A_26 = arith.constant 32 : i32
    %add3A = arith.addi %iota3A_18, %scan3A_25 : vector<4x2016xi32>
    %iota3A_27 = tpu.iota {dimensions = array<i32: 0>} : vector<4x32xi32>
    %iota3A_28 = tpu.iota {dimensions = array<i32: 0>} : vector<4x2016xi32>
    %swap3A = arith.constant 0 : index
    %swap3A_29 = arith.constant 0 : index
    %swap3A_30 = vector.load %arg1[%swap3A, %swap3A_29] : memref<4x32xi32, #tpu.memory_space<vmem>>, vector<4x32xi32>
    tpu.vector_store %arg1[%swap3A, %swap3A_29], %scan3A_8#1 {strides = array<i32>} : memref<4x32xi32, #tpu.memory_space<vmem>>, vector<4x32xi32>,
    %swap3A_31 = arith.constant 0 : index
    %swap3A_32 = arith.constant 0 : index
    %swap3A_33 = vector.load %arg2[%swap3A_31, %swap3A_32] : memref<4x2016xi32, #tpu.memory_space<vmem>>, vector<4x2016xi32>
    tpu.vector_store %arg2[%swap3A_31, %swap3A_32], %add3A {strides = array<i32>} : memref<4x2016xi32, #tpu.memory_space<vmem>>, vector<4x2016xi32>,
    %mul3A = arith.constant 2048 : i32
    %mul3A_34 = vector.broadcast %mul3A : i32 to vector<4x32xi32>
    %mul3A_35 = arith.muli %iota3A_27, %mul3A_34 : vector<4x32xi32>
    %add3A_36 = arith.addi %scan3A_8#1, %mul3A_35 : vector<4x32xi32>
    %swap3A_37 = arith.constant 0 : index
    %swap3A_38 = arith.constant 0 : index
    %swap3A_39 = vector.load %arg5[%swap3A_37, %swap3A_38] : memref<4x32xi32, #tpu.memory_space<vmem>>, vector<4x32xi32>
    tpu.vector_store %arg5[%swap3A_37, %swap3A_38], %add3A_36 {strides = array<i32>} : memref<4x32xi32, #tpu.memory_space<vmem>>, vector<4x32xi32>,
    %mul3A_40 = arith.constant 2048 : i32
    %mul3A_41 = vector.broadcast %mul3A_40 : i32 to vector<4x2016xi32>
    %mul3A_42 = arith.muli %iota3A_28, %mul3A_41 : vector<4x2016xi32>
    %add3A_43 = arith.addi %add3A, %mul3A_42 : vector<4x2016xi32>
    %swap3A_44 = arith.constant 0 : index
    %swap3A_45 = arith.constant 0 : index
    %swap3A_46 = vector.load %arg7[%swap3A_44, %swap3A_45] : memref<4x2016xi32, #tpu.memory_space<vmem>>, vector<4x2016xi32>
    tpu.vector_store %arg7[%swap3A_44, %swap3A_45], %add3A_43 {strides = array<i32>} : memref<4x2016xi32, #tpu.memory_space<vmem>>, vector<4x2016xi32>,
    %add3A_47 = arith.constant -2 : i32
    %add3A_48 = vector.broadcast %add3A_47 : i32 to vector<4x32xi32>
    %add3A_49 = arith.addi %scan3A_8#1, %add3A_48 : vector<4x32xi32>
    %jit3A = arith.constant 0 : i32
    %jit3A_50 = arith.constant 2047 : i32
    %max3A = vector.broadcast %jit3A : i32 to vector<4x32xi32>
    %max3A_51 = arith.maxsi %max3A, %add3A_49 : vector<4x32xi32>
    %min3A = vector.broadcast %jit3A_50 : i32 to vector<4x32xi32>
    %min3A_52 = arith.minsi %min3A, %max3A_51 : vector<4x32xi32>
    %add3A_53 = arith.constant -2 : i32
    %add3A_54 = vector.broadcast %add3A_53 : i32 to vector<4x2016xi32>
    %add3A_55 = arith.addi %add3A, %add3A_54 : vector<4x2016xi32>
    %jit3A_56 = arith.constant 0 : i32
    %jit3A_57 = arith.constant 2047 : i32
    %max3A_58 = vector.broadcast %jit3A_56 : i32 to vector<4x2016xi32>
    %max3A_59 = arith.maxsi %max3A_58, %add3A_55 : vector<4x2016xi32>
    %min3A_60 = vector.broadcast %jit3A_57 : i32 to vector<4x2016xi32>
    %min3A_61 = arith.minsi %min3A_60, %max3A_59 : vector<4x2016xi32>
    %swap3A_62 = arith.constant 0 : index
    %swap3A_63 = arith.constant 0 : index
    %swap3A_64 = arith.constant 0 : index
    %swap3A_65 = vector.load %arg3[%swap3A_62, %swap3A_63, %swap3A_64] : memref<4x5x32xi32, #tpu.memory_space<vmem>>, vector<4x1x32xi32>
    %swap3A_66 = vector.shape_cast %swap3A_65 : vector<4x1x32xi32> to vector<4x32xi32>
    %swap3A_67 = vector.shape_cast %min3A_52 : vector<4x32xi32> to vector<4x1x32xi32>
    tpu.vector_store %arg3[%swap3A_62, %swap3A_63, %swap3A_64], %swap3A_67 {strides = array<i32>} : memref<4x5x32xi32, #tpu.memory_space<vmem>>, vector<4x1x32xi32>,
    %swap3A_68 = arith.constant 0 : index
    %swap3A_69 = arith.constant 0 : index
    %swap3A_70 = arith.constant 0 : index
    %swap3A_71 = vector.load %arg4[%swap3A_68, %swap3A_69, %swap3A_70] : memref<4x5x2016xi32, #tpu.memory_space<vmem>>, vector<4x1x2016xi32>
    %swap3A_72 = vector.shape_cast %swap3A_71 : vector<4x1x2016xi32> to vector<4x2016xi32>
    %swap3A_73 = vector.shape_cast %min3A_61 : vector<4x2016xi32> to vector<4x1x2016xi32>
    tpu.vector_store %arg4[%swap3A_68, %swap3A_69, %swap3A_70], %swap3A_73 {strides = array<i32>} : memref<4x5x2016xi32, #tpu.memory_space<vmem>>, vector<4x1x2016xi32>,
    %add3A_74 = arith.constant 4 : i32
    %add3A_75 = vector.broadcast %add3A_74 : i32 to vector<4x32xi32>
    %add3A_76 = arith.addi %add3A_75, %iota3A_27 : vector<4x32xi32>
    %mul3A_77 = arith.constant 2048 : i32
    %mul3A_78 = vector.broadcast %mul3A_77 : i32 to vector<4x32xi32>
    %mul3A_79 = arith.muli %add3A_76, %mul3A_78 : vector<4x32xi32>
    %add3A_80 = arith.addi %min3A_52, %mul3A_79 : vector<4x32xi32>
    %swap3A_81 = arith.constant 0 : index
    %swap3A_82 = arith.constant 0 : index
    %swap3A_83 = arith.constant 0 : index
    %swap3A_84 = vector.load %arg6[%swap3A_81, %swap3A_82, %swap3A_83] : memref<4x5x32xi32, #tpu.memory_space<vmem>>, vector<4x1x32xi32>
    %swap3A_85 = vector.shape_cast %swap3A_84 : vector<4x1x32xi32> to vector<4x32xi32>
    %swap3A_86 = vector.shape_cast %add3A_80 : vector<4x32xi32> to vector<4x1x32xi32>
    tpu.vector_store %arg6[%swap3A_81, %swap3A_82, %swap3A_83], %swap3A_86 {strides = array<i32>} : memref<4x5x32xi32, #tpu.memory_space<vmem>>, vector<4x1x32xi32>,
    %add3A_87 = arith.constant 4 : i32
    %add3A_88 = vector.broadcast %add3A_87 : i32 to vector<4x2016xi32>
    %add3A_89 = arith.addi %add3A_88, %iota3A_28 : vector<4x2016xi32>
    %mul3A_90 = arith.constant 2048 : i32
    %mul3A_91 = vector.broadcast %mul3A_90 : i32 to vector<4x2016xi32>
    %mul3A_92 = arith.muli %add3A_89, %mul3A_91 : vector<4x2016xi32>
    %add3A_93 = arith.addi %min3A_61, %mul3A_92 : vector<4x2016xi32>
    %swap3A_94 = arith.constant 0 : index
    %swap3A_95 = arith.constant 0 : index
    %swap3A_96 = arith.constant 0 : index
    %swap3A_97 = vector.load %arg8[%swap3A_94, %swap3A_95, %swap3A_96] : memref<4x5x2016xi32, #tpu.memory_space<vmem>>, vector<4x1x2016xi32>
    %swap3A_98 = vector.shape_cast %swap3A_97 : vector<4x1x2016xi32> to vector<4x2016xi32>
    %swap3A_99 = vector.shape_cast %add3A_93 : vector<4x2016xi32> to vector<4x1x2016xi32>
    tpu.vector_store %arg8[%swap3A_94, %swap3A_95, %swap3A_96], %swap3A_99 {strides = array<i32>} : memref<4x5x2016xi32, #tpu.memory_space<vmem>>, vector<4x1x2016xi32>,
    %add3A_100 = arith.constant -1 : i32
    %add3A_101 = vector.broadcast %add3A_100 : i32 to vector<4x32xi32>
    %add3A_102 = arith.addi %scan3A_8#1, %add3A_101 : vector<4x32xi32>
    %jit3A_103 = arith.constant 0 : i32
    %jit3A_104 = arith.constant 2047 : i32
    %max3A_105 = vector.broadcast %jit3A_103 : i32 to vector<4x32xi32>
    %max3A_106 = arith.maxsi %max3A_105, %add3A_102 : vector<4x32xi32>
    %min3A_107 = vector.broadcast %jit3A_104 : i32 to vector<4x32xi32>
    %min3A_108 = arith.minsi %min3A_107, %max3A_106 : vector<4x32xi32>
    %add3A_109 = arith.constant -1 : i32
    %add3A_110 = vector.broadcast %add3A_109 : i32 to vector<4x2016xi32>
    %add3A_111 = arith.addi %add3A, %add3A_110 : vector<4x2016xi32>
    %jit3A_112 = arith.constant 0 : i32
    %jit3A_113 = arith.constant 2047 : i32
    %max3A_114 = vector.broadcast %jit3A_112 : i32 to vector<4x2016xi32>
    %max3A_115 = arith.maxsi %max3A_114, %add3A_111 : vector<4x2016xi32>
    %min3A_116 = vector.broadcast %jit3A_113 : i32 to vector<4x2016xi32>
    %min3A_117 = arith.minsi %min3A_116, %max3A_115 : vector<4x2016xi32>
    %swap3A_118 = arith.constant 0 : index
    %swap3A_119 = arith.constant 1 : index
    %swap3A_120 = arith.constant 0 : index
    %swap3A_121 = vector.load %arg3[%swap3A_118, %swap3A_119, %swap3A_120] : memref<4x5x32xi32, #tpu.memory_space<vmem>>, vector<4x1x32xi32>
    %swap3A_122 = vector.shape_cast %swap3A_121 : vector<4x1x32xi32> to vector<4x32xi32>
    %swap3A_123 = vector.shape_cast %min3A_108 : vector<4x32xi32> to vector<4x1x32xi32>
    tpu.vector_store %arg3[%swap3A_118, %swap3A_119, %swap3A_120], %swap3A_123 {strides = array<i32>} : memref<4x5x32xi32, #tpu.memory_space<vmem>>, vector<4x1x32xi32>,
    %swap3A_124 = arith.constant 0 : index
    %swap3A_125 = arith.constant 1 : index
    %swap3A_126 = arith.constant 0 : index
    %swap3A_127 = vector.load %arg4[%swap3A_124, %swap3A_125, %swap3A_126] : memref<4x5x2016xi32, #tpu.memory_space<vmem>>, vector<4x1x2016xi32>
    %swap3A_128 = vector.shape_cast %swap3A_127 : vector<4x1x2016xi32> to vector<4x2016xi32>
    %swap3A_129 = vector.shape_cast %min3A_117 : vector<4x2016xi32> to vector<4x1x2016xi32>
    tpu.vector_store %arg4[%swap3A_124, %swap3A_125, %swap3A_126], %swap3A_129 {strides = array<i32>} : memref<4x5x2016xi32, #tpu.memory_space<vmem>>, vector<4x1x2016xi32>,
    %add3A_130 = arith.constant 4 : i32
    %add3A_131 = vector.broadcast %add3A_130 : i32 to vector<4x32xi32>
    %add3A_132 = arith.addi %add3A_131, %iota3A_27 : vector<4x32xi32>
    %mul3A_133 = arith.constant 2048 : i32
    %mul3A_134 = vector.broadcast %mul3A_133 : i32 to vector<4x32xi32>
    %mul3A_135 = arith.muli %add3A_132, %mul3A_134 : vector<4x32xi32>
    %add3A_136 = arith.addi %min3A_108, %mul3A_135 : vector<4x32xi32>
    %swap3A_137 = arith.constant 0 : index
    %swap3A_138 = arith.constant 1 : index
    %swap3A_139 = arith.constant 0 : index
    %swap3A_140 = vector.load %arg6[%swap3A_137, %swap3A_138, %swap3A_139] : memref<4x5x32xi32, #tpu.memory_space<vmem>>, vector<4x1x32xi32>
    %swap3A_141 = vector.shape_cast %swap3A_140 : vector<4x1x32xi32> to vector<4x32xi32>
    %swap3A_142 = vector.shape_cast %add3A_136 : vector<4x32xi32> to vector<4x1x32xi32>
    tpu.vector_store %arg6[%swap3A_137, %swap3A_138, %swap3A_139], %swap3A_142 {strides = array<i32>} : memref<4x5x32xi32, #tpu.memory_space<vmem>>, vector<4x1x32xi32>,
    %add3A_143 = arith.constant 4 : i32
    %add3A_144 = vector.broadcast %add3A_143 : i32 to vector<4x2016xi32>
    %add3A_145 = arith.addi %add3A_144, %iota3A_28 : vector<4x2016xi32>
    %mul3A_146 = arith.constant 2048 : i32
    %mul3A_147 = vector.broadcast %mul3A_146 : i32 to vector<4x2016xi32>
    %mul3A_148 = arith.muli %add3A_145, %mul3A_147 : vector<4x2016xi32>
    %add3A_149 = arith.addi %min3A_117, %mul3A_148 : vector<4x2016xi32>
    %swap3A_150 = arith.constant 0 : index
    %swap3A_151 = arith.constant 1 : index
    %swap3A_152 = arith.constant 0 : index
    %swap3A_153 = vector.load %arg8[%swap3A_150, %swap3A_151, %swap3A_152] : memref<4x5x2016xi32, #tpu.memory_space<vmem>>, vector<4x1x2016xi32>
    %swap3A_154 = vector.shape_cast %swap3A_153 : vector<4x1x2016xi32> to vector<4x2016xi32>
    %swap3A_155 = vector.shape_cast %add3A_149 : vector<4x2016xi32> to vector<4x1x2016xi32>
    tpu.vector_store %arg8[%swap3A_150, %swap3A_151, %swap3A_152], %swap3A_155 {strides = array<i32>} : memref<4x5x2016xi32, #tpu.memory_space<vmem>>, vector<4x1x2016xi32>,
    %add3A_156 = arith.constant 0 : i32
    %add3A_157 = vector.broadcast %add3A_156 : i32 to vector<4x32xi32>
    %add3A_158 = arith.addi %scan3A_8#1, %add3A_157 : vector<4x32xi32>
    %jit3A_159 = arith.constant 0 : i32
    %jit3A_160 = arith.constant 2047 : i32
    %max3A_161 = vector.broadcast %jit3A_159 : i32 to vector<4x32xi32>
    %max3A_162 = arith.maxsi %max3A_161, %add3A_158 : vector<4x32xi32>
    %min3A_163 = vector.broadcast %jit3A_160 : i32 to vector<4x32xi32>
    %min3A_164 = arith.minsi %min3A_163, %max3A_162 : vector<4x32xi32>
    %add3A_165 = arith.constant 0 : i32
    %add3A_166 = vector.broadcast %add3A_165 : i32 to vector<4x2016xi32>
    %add3A_167 = arith.addi %add3A, %add3A_166 : vector<4x2016xi32>
    %jit3A_168 = arith.constant 0 : i32
    %jit3A_169 = arith.constant 2047 : i32
    %max3A_170 = vector.broadcast %jit3A_168 : i32 to vector<4x2016xi32>
    %max3A_171 = arith.maxsi %max3A_170, %add3A_167 : vector<4x2016xi32>
    %min3A_172 = vector.broadcast %jit3A_169 : i32 to vector<4x2016xi32>
    %min3A_173 = arith.minsi %min3A_172, %max3A_171 : vector<4x2016xi32>
    %swap3A_174 = arith.constant 0 : index
    %swap3A_175 = arith.constant 2 : index
    %swap3A_176 = arith.constant 0 : index
    %swap3A_177 = vector.load %arg3[%swap3A_174, %swap3A_175, %swap3A_176] : memref<4x5x32xi32, #tpu.memory_space<vmem>>, vector<4x1x32xi32>
    %swap3A_178 = vector.shape_cast %swap3A_177 : vector<4x1x32xi32> to vector<4x32xi32>
    %swap3A_179 = vector.shape_cast %min3A_164 : vector<4x32xi32> to vector<4x1x32xi32>
    tpu.vector_store %arg3[%swap3A_174, %swap3A_175, %swap3A_176], %swap3A_179 {strides = array<i32>} : memref<4x5x32xi32, #tpu.memory_space<vmem>>, vector<4x1x32xi32>,
    %swap3A_180 = arith.constant 0 : index
    %swap3A_181 = arith.constant 2 : index
    %swap3A_182 = arith.constant 0 : index
    %swap3A_183 = vector.load %arg4[%swap3A_180, %swap3A_181, %swap3A_182] : memref<4x5x2016xi32, #tpu.memory_space<vmem>>, vector<4x1x2016xi32>
    %swap3A_184 = vector.shape_cast %swap3A_183 : vector<4x1x2016xi32> to vector<4x2016xi32>
    %swap3A_185 = vector.shape_cast %min3A_173 : vector<4x2016xi32> to vector<4x1x2016xi32>
    tpu.vector_store %arg4[%swap3A_180, %swap3A_181, %swap3A_182], %swap3A_185 {strides = array<i32>} : memref<4x5x2016xi32, #tpu.memory_space<vmem>>, vector<4x1x2016xi32>,
    %add3A_186 = arith.constant 4 : i32
    %add3A_187 = vector.broadcast %add3A_186 : i32 to vector<4x32xi32>
    %add3A_188 = arith.addi %add3A_187, %iota3A_27 : vector<4x32xi32>
    %mul3A_189 = arith.constant 2048 : i32
    %mul3A_190 = vector.broadcast %mul3A_189 : i32 to vector<4x32xi32>
    %mul3A_191 = arith.muli %add3A_188, %mul3A_190 : vector<4x32xi32>
    %add3A_192 = arith.addi %min3A_164, %mul3A_191 : vector<4x32xi32>
    %swap3A_193 = arith.constant 0 : index
    %swap3A_194 = arith.constant 2 : index
    %swap3A_195 = arith.constant 0 : index
    %swap3A_196 = vector.load %arg6[%swap3A_193, %swap3A_194, %swap3A_195] : memref<4x5x32xi32, #tpu.memory_space<vmem>>, vector<4x1x32xi32>
    %swap3A_197 = vector.shape_cast %swap3A_196 : vector<4x1x32xi32> to vector<4x32xi32>
    %swap3A_198 = vector.shape_cast %add3A_192 : vector<4x32xi32> to vector<4x1x32xi32>
    tpu.vector_store %arg6[%swap3A_193, %swap3A_194, %swap3A_195], %swap3A_198 {strides = array<i32>} : memref<4x5x32xi32, #tpu.memory_space<vmem>>, vector<4x1x32xi32>,
    %add3A_199 = arith.constant 4 : i32
    %add3A_200 = vector.broadcast %add3A_199 : i32 to vector<4x2016xi32>
    %add3A_201 = arith.addi %add3A_200, %iota3A_28 : vector<4x2016xi32>
    %mul3A_202 = arith.constant 2048 : i32
    %mul3A_203 = vector.broadcast %mul3A_202 : i32 to vector<4x2016xi32>
    %mul3A_204 = arith.muli %add3A_201, %mul3A_203 : vector<4x2016xi32>
    %add3A_205 = arith.addi %min3A_173, %mul3A_204 : vector<4x2016xi32>
    %swap3A_206 = arith.constant 0 : index
    %swap3A_207 = arith.constant 2 : index
    %swap3A_208 = arith.constant 0 : index
    %swap3A_209 = vector.load %arg8[%swap3A_206, %swap3A_207, %swap3A_208] : memref<4x5x2016xi32, #tpu.memory_space<vmem>>, vector<4x1x2016xi32>
    %swap3A_210 = vector.shape_cast %swap3A_209 : vector<4x1x2016xi32> to vector<4x2016xi32>
    %swap3A_211 = vector.shape_cast %add3A_205 : vector<4x2016xi32> to vector<4x1x2016xi32>
    tpu.vector_store %arg8[%swap3A_206, %swap3A_207, %swap3A_208], %swap3A_211 {strides = array<i32>} : memref<4x5x2016xi32, #tpu.memory_space<vmem>>, vector<4x1x2016xi32>,
    %add3A_212 = arith.constant 1 : i32
    %add3A_213 = vector.broadcast %add3A_212 : i32 to vector<4x32xi32>
    %add3A_214 = arith.addi %scan3A_8#1, %add3A_213 : vector<4x32xi32>
    %jit3A_215 = arith.constant 0 : i32
    %jit3A_216 = arith.constant 2047 : i32
    %max3A_217 = vector.broadcast %jit3A_215 : i32 to vector<4x32xi32>
    %max3A_218 = arith.maxsi %max3A_217, %add3A_214 : vector<4x32xi32>
    %min3A_219 = vector.broadcast %jit3A_216 : i32 to vector<4x32xi32>
    %min3A_220 = arith.minsi %min3A_219, %max3A_218 : vector<4x32xi32>
    %add3A_221 = arith.constant 1 : i32
    %add3A_222 = vector.broadcast %add3A_221 : i32 to vector<4x2016xi32>
    %add3A_223 = arith.addi %add3A, %add3A_222 : vector<4x2016xi32>
    %jit3A_224 = arith.constant 0 : i32
    %jit3A_225 = arith.constant 2047 : i32
    %max3A_226 = vector.broadcast %jit3A_224 : i32 to vector<4x2016xi32>
    %max3A_227 = arith.maxsi %max3A_226, %add3A_223 : vector<4x2016xi32>
    %min3A_228 = vector.broadcast %jit3A_225 : i32 to vector<4x2016xi32>
    %min3A_229 = arith.minsi %min3A_228, %max3A_227 : vector<4x2016xi32>
    %swap3A_230 = arith.constant 0 : index
    %swap3A_231 = arith.constant 3 : index
    %swap3A_232 = arith.constant 0 : index
    %swap3A_233 = vector.load %arg3[%swap3A_230, %swap3A_231, %swap3A_232] : memref<4x5x32xi32, #tpu.memory_space<vmem>>, vector<4x1x32xi32>
    %swap3A_234 = vector.shape_cast %swap3A_233 : vector<4x1x32xi32> to vector<4x32xi32>
    %swap3A_235 = vector.shape_cast %min3A_220 : vector<4x32xi32> to vector<4x1x32xi32>
    tpu.vector_store %arg3[%swap3A_230, %swap3A_231, %swap3A_232], %swap3A_235 {strides = array<i32>} : memref<4x5x32xi32, #tpu.memory_space<vmem>>, vector<4x1x32xi32>,
    %swap3A_236 = arith.constant 0 : index
    %swap3A_237 = arith.constant 3 : index
    %swap3A_238 = arith.constant 0 : index
    %swap3A_239 = vector.load %arg4[%swap3A_236, %swap3A_237, %swap3A_238] : memref<4x5x2016xi32, #tpu.memory_space<vmem>>, vector<4x1x2016xi32>
    %swap3A_240 = vector.shape_cast %swap3A_239 : vector<4x1x2016xi32> to vector<4x2016xi32>
    %swap3A_241 = vector.shape_cast %min3A_229 : vector<4x2016xi32> to vector<4x1x2016xi32>
    tpu.vector_store %arg4[%swap3A_236, %swap3A_237, %swap3A_238], %swap3A_241 {strides = array<i32>} : memref<4x5x2016xi32, #tpu.memory_space<vmem>>, vector<4x1x2016xi32>,
    %add3A_242 = arith.constant 4 : i32
    %add3A_243 = vector.broadcast %add3A_242 : i32 to vector<4x32xi32>
    %add3A_244 = arith.addi %add3A_243, %iota3A_27 : vector<4x32xi32>
    %mul3A_245 = arith.constant 2048 : i32
    %mul3A_246 = vector.broadcast %mul3A_245 : i32 to vector<4x32xi32>
    %mul3A_247 = arith.muli %add3A_244, %mul3A_246 : vector<4x32xi32>
    %add3A_248 = arith.addi %min3A_220, %mul3A_247 : vector<4x32xi32>
    %swap3A_249 = arith.constant 0 : index
    %swap3A_250 = arith.constant 3 : index
    %swap3A_251 = arith.constant 0 : index
    %swap3A_252 = vector.load %arg6[%swap3A_249, %swap3A_250, %swap3A_251] : memref<4x5x32xi32, #tpu.memory_space<vmem>>, vector<4x1x32xi32>
    %swap3A_253 = vector.shape_cast %swap3A_252 : vector<4x1x32xi32> to vector<4x32xi32>
    %swap3A_254 = vector.shape_cast %add3A_248 : vector<4x32xi32> to vector<4x1x32xi32>
    tpu.vector_store %arg6[%swap3A_249, %swap3A_250, %swap3A_251], %swap3A_254 {strides = array<i32>} : memref<4x5x32xi32, #tpu.memory_space<vmem>>, vector<4x1x32xi32>,
    %add3A_255 = arith.constant 4 : i32
    %add3A_256 = vector.broadcast %add3A_255 : i32 to vector<4x2016xi32>
    %add3A_257 = arith.addi %add3A_256, %iota3A_28 : vector<4x2016xi32>
    %mul3A_258 = arith.constant 2048 : i32
    %mul3A_259 = vector.broadcast %mul3A_258 : i32 to vector<4x2016xi32>
    %mul3A_260 = arith.muli %add3A_257, %mul3A_259 : vector<4x2016xi32>
    %add3A_261 = arith.addi %min3A_229, %mul3A_260 : vector<4x2016xi32>
    %swap3A_262 = arith.constant 0 : index
    %swap3A_263 = arith.constant 3 : index
    %swap3A_264 = arith.constant 0 : index
    %swap3A_265 = vector.load %arg8[%swap3A_262, %swap3A_263, %swap3A_264] : memref<4x5x2016xi32, #tpu.memory_space<vmem>>, vector<4x1x2016xi32>
    %swap3A_266 = vector.shape_cast %swap3A_265 : vector<4x1x2016xi32> to vector<4x2016xi32>
    %swap3A_267 = vector.shape_cast %add3A_261 : vector<4x2016xi32> to vector<4x1x2016xi32>
    tpu.vector_store %arg8[%swap3A_262, %swap3A_263, %swap3A_264], %swap3A_267 {strides = array<i32>} : memref<4x5x2016xi32, #tpu.memory_space<vmem>>, vector<4x1x2016xi32>,
    %add3A_268 = arith.constant 2 : i32
    %add3A_269 = vector.broadcast %add3A_268 : i32 to vector<4x32xi32>
    %add3A_270 = arith.addi %scan3A_8#1, %add3A_269 : vector<4x32xi32>
    %jit3A_271 = arith.constant 0 : i32
    %jit3A_272 = arith.constant 2047 : i32
    %max3A_273 = vector.broadcast %jit3A_271 : i32 to vector<4x32xi32>
    %max3A_274 = arith.maxsi %max3A_273, %add3A_270 : vector<4x32xi32>
    %min3A_275 = vector.broadcast %jit3A_272 : i32 to vector<4x32xi32>
    %min3A_276 = arith.minsi %min3A_275, %max3A_274 : vector<4x32xi32>
    %add3A_277 = arith.constant 2 : i32
    %add3A_278 = vector.broadcast %add3A_277 : i32 to vector<4x2016xi32>
    %add3A_279 = arith.addi %add3A, %add3A_278 : vector<4x2016xi32>
    %jit3A_280 = arith.constant 0 : i32
    %jit3A_281 = arith.constant 2047 : i32
    %max3A_282 = vector.broadcast %jit3A_280 : i32 to vector<4x2016xi32>
    %max3A_283 = arith.maxsi %max3A_282, %add3A_279 : vector<4x2016xi32>
    %min3A_284 = vector.broadcast %jit3A_281 : i32 to vector<4x2016xi32>
    %min3A_285 = arith.minsi %min3A_284, %max3A_283 : vector<4x2016xi32>
    %swap3A_286 = arith.constant 0 : index
    %swap3A_287 = arith.constant 4 : index
    %swap3A_288 = arith.constant 0 : index
    %swap3A_289 = vector.load %arg3[%swap3A_286, %swap3A_287, %swap3A_288] : memref<4x5x32xi32, #tpu.memory_space<vmem>>, vector<4x1x32xi32>
    %swap3A_290 = vector.shape_cast %swap3A_289 : vector<4x1x32xi32> to vector<4x32xi32>
    %swap3A_291 = vector.shape_cast %min3A_276 : vector<4x32xi32> to vector<4x1x32xi32>
    tpu.vector_store %arg3[%swap3A_286, %swap3A_287, %swap3A_288], %swap3A_291 {strides = array<i32>} : memref<4x5x32xi32, #tpu.memory_space<vmem>>, vector<4x1x32xi32>,
    %swap3A_292 = arith.constant 0 : index
    %swap3A_293 = arith.constant 4 : index
    %swap3A_294 = arith.constant 0 : index
    %swap3A_295 = vector.load %arg4[%swap3A_292, %swap3A_293, %swap3A_294] : memref<4x5x2016xi32, #tpu.memory_space<vmem>>, vector<4x1x2016xi32>
    %swap3A_296 = vector.shape_cast %swap3A_295 : vector<4x1x2016xi32> to vector<4x2016xi32>
    %swap3A_297 = vector.shape_cast %min3A_285 : vector<4x2016xi32> to vector<4x1x2016xi32>
    tpu.vector_store %arg4[%swap3A_292, %swap3A_293, %swap3A_294], %swap3A_297 {strides = array<i32>} : memref<4x5x2016xi32, #tpu.memory_space<vmem>>, vector<4x1x2016xi32>,
    %add3A_298 = arith.constant 4 : i32
    %add3A_299 = vector.broadcast %add3A_298 : i32 to vector<4x32xi32>
    %add3A_300 = arith.addi %add3A_299, %iota3A_27 : vector<4x32xi32>
    %mul3A_301 = arith.constant 2048 : i32
    %mul3A_302 = vector.broadcast %mul3A_301 : i32 to vector<4x32xi32>
    %mul3A_303 = arith.muli %add3A_300, %mul3A_302 : vector<4x32xi32>
    %add3A_304 = arith.addi %min3A_276, %mul3A_303 : vector<4x32xi32>
    %swap3A_305 = arith.constant 0 : index
    %swap3A_306 = arith.constant 4 : index
    %swap3A_307 = arith.constant 0 : index
    %swap3A_308 = vector.load %arg6[%swap3A_305, %swap3A_306, %swap3A_307] : memref<4x5x32xi32, #tpu.memory_space<vmem>>, vector<4x1x32xi32>
    %swap3A_309 = vector.shape_cast %swap3A_308 : vector<4x1x32xi32> to vector<4x32xi32>
    %swap3A_310 = vector.shape_cast %add3A_304 : vector<4x32xi32> to vector<4x1x32xi32>
    tpu.vector_store %arg6[%swap3A_305, %swap3A_306, %swap3A_307], %swap3A_310 {strides = array<i32>} : memref<4x5x32xi32, #tpu.memory_space<vmem>>, vector<4x1x32xi32>,
    %add3A_311 = arith.constant 4 : i32
    %add3A_312 = vector.broadcast %add3A_311 : i32 to vector<4x2016xi32>
    %add3A_313 = arith.addi %add3A_312, %iota3A_28 : vector<4x2016xi32>
    %mul3A_314 = arith.constant 2048 : i32
    %mul3A_315 = vector.broadcast %mul3A_314 : i32 to vector<4x2016xi32>
    %mul3A_316 = arith.muli %add3A_313, %mul3A_315 : vector<4x2016xi32>
    %add3A_317 = arith.addi %min3A_285, %mul3A_316 : vector<4x2016xi32>
    %swap3A_318 = arith.constant 0 : index
    %swap3A_319 = arith.constant 4 : index
    %swap3A_320 = arith.constant 0 : index
    %swap3A_321 = vector.load %arg8[%swap3A_318, %swap3A_319, %swap3A_320] : memref<4x5x2016xi32, #tpu.memory_space<vmem>>, vector<4x1x2016xi32>
    %swap3A_322 = vector.shape_cast %swap3A_321 : vector<4x1x2016xi32> to vector<4x2016xi32>
    %swap3A_323 = vector.shape_cast %add3A_317 : vector<4x2016xi32> to vector<4x1x2016xi32>
    tpu.vector_store %arg8[%swap3A_318, %swap3A_319, %swap3A_320], %swap3A_323 {strides = array<i32>} : memref<4x5x2016xi32, #tpu.memory_space<vmem>>, vector<4x1x2016xi32>,
    return
  }
}

module attributes {stable_mosaic.version = 14 : i64} {
  func.func @_mm_body(%arg0: i32, %arg1: i32, %arg2: memref<1x256x1024xf32, #tpu.memory_space<vmem>>, %arg3: memref<1024x1024xf32, #tpu.memory_space<vmem>>, %arg4: memref<1x1024xf32, #tpu.memory_space<vmem>>, %arg5: memref<1024x1024xf32, #tpu.memory_space<vmem>>, %arg6: memref<1x1024xf32, #tpu.memory_space<vmem>>, %arg7: memref<2x1x256x1024xf32, #tpu.memory_space<vmem>>) attributes {dimension_semantics = [#tpu.dimension_semantics<arbitrary>, #tpu.dimension_semantics<arbitrary>], iteration_bounds = array<i64: 4, 8>, scalar_prefetch = 0 : i64, scratch_operands = 0 : i64, tpu.core_type = #tpu.core_type<tc>, window_params = [{transform_indices = @transform_0, window_bounds = array<i64: 1, 256, 1024>}, {pipeline_mode = #tpu.pipeline_mode<synchronous>, transform_indices = @transform_1, window_bounds = array<i64: 1024, 1024>}, {pipeline_mode = #tpu.pipeline_mode<synchronous>, transform_indices = @transform_2, window_bounds = array<i64: 1, 1024>}, {pipeline_mode = #tpu.pipeline_mode<synchronous>, transform_indices = @transform_3, window_bounds = array<i64: 1024, 1024>}, {pipeline_mode = #tpu.pipeline_mode<synchronous>, transform_indices = @transform_4, window_bounds = array<i64: 1, 1024>}, {transform_indices = @transform_5, window_bounds = array<i64: 2, 1, 256, 1024>}]} {
    %get3A = arith.constant 0 : index
    %get3A_0 = arith.constant 0 : index
    %get3A_1 = arith.constant 0 : index
    %get3A_2 = vector.load %arg2[%get3A, %get3A_0, %get3A_1] : memref<1x256x1024xf32, #tpu.memory_space<vmem>>, vector<1x256x1024xf32>
    %get3A_3 = vector.shape_cast %get3A_2 : vector<1x256x1024xf32> to vector<256x1024xf32>
    %get3A_4 = arith.constant 0 : index
    %get3A_5 = arith.constant 0 : index
    %get3A_6 = vector.load %arg3[%get3A_4, %get3A_5] : memref<1024x1024xf32, #tpu.memory_space<vmem>>, vector<1024x1024xf32>
    %dot_general3A = arith.constant dense<0.000000e+00> : vector<256x1024xf32>
    %dot_general3A_7 = tpu.matmul %get3A_3, %get3A_6, %dot_general3A {dimension_numbers = #tpu.dot_dimension_numbers<[1], [0], [0], [1], [0, 0, 1, 1], [], []>, transpose_lhs_hint = false} : vector<256x1024xf32>, vector<1024x1024xf32>, vector<256x1024xf32> -> vector<256x1024xf32>
    %get3A_8 = arith.constant 0 : index
    %get3A_9 = arith.constant 0 : index
    %get3A_10 = vector.load %arg4[%get3A_8, %get3A_9] : memref<1x1024xf32, #tpu.memory_space<vmem>>, vector<1x1024xf32>
    %add3A = vector.broadcast %get3A_10 : vector<1x1024xf32> to vector<256x1024xf32>
    %add3A_11 = arith.addf %dot_general3A_7, %add3A : vector<256x1024xf32>
    %get3A_12 = arith.constant 0 : index
    %get3A_13 = arith.constant 0 : index
    %get3A_14 = vector.load %arg5[%get3A_12, %get3A_13] : memref<1024x1024xf32, #tpu.memory_space<vmem>>, vector<1024x1024xf32>
    %dot_general3A_15 = arith.constant dense<0.000000e+00> : vector<256x1024xf32>
    %dot_general3A_16 = tpu.matmul %get3A_3, %get3A_14, %dot_general3A_15 {dimension_numbers = #tpu.dot_dimension_numbers<[1], [0], [0], [1], [0, 0, 1, 1], [], []>, transpose_lhs_hint = false} : vector<256x1024xf32>, vector<1024x1024xf32>, vector<256x1024xf32> -> vector<256x1024xf32>
    %get3A_17 = arith.constant 0 : index
    %get3A_18 = arith.constant 0 : index
    %get3A_19 = vector.load %arg6[%get3A_17, %get3A_18] : memref<1x1024xf32, #tpu.memory_space<vmem>>, vector<1x1024xf32>
    %add3A_20 = vector.broadcast %get3A_19 : vector<1x1024xf32> to vector<256x1024xf32>
    %add3A_21 = arith.addf %dot_general3A_16, %add3A_20 : vector<256x1024xf32>
    %swap3A = arith.constant 0 : index
    %swap3A_22 = arith.constant 0 : index
    %swap3A_23 = arith.constant 0 : index
    %swap3A_24 = arith.constant 0 : index
    %swap3A_25 = vector.load %arg7[%swap3A, %swap3A_22, %swap3A_23, %swap3A_24] : memref<2x1x256x1024xf32, #tpu.memory_space<vmem>>, vector<1x1x256x1024xf32>
    %swap3A_26 = vector.shape_cast %swap3A_25 : vector<1x1x256x1024xf32> to vector<256x1024xf32>
    %swap3A_27 = vector.shape_cast %add3A_11 : vector<256x1024xf32> to vector<1x1x256x1024xf32>
    tpu.vector_store %arg7[%swap3A, %swap3A_22, %swap3A_23, %swap3A_24], %swap3A_27 {strides = array<i32>} : memref<2x1x256x1024xf32, #tpu.memory_space<vmem>>, vector<1x1x256x1024xf32>,
    %swap3A_28 = arith.constant 1 : index
    %swap3A_29 = arith.constant 0 : index
    %swap3A_30 = arith.constant 0 : index
    %swap3A_31 = arith.constant 0 : index
    %swap3A_32 = vector.load %arg7[%swap3A_28, %swap3A_29, %swap3A_30, %swap3A_31] : memref<2x1x256x1024xf32, #tpu.memory_space<vmem>>, vector<1x1x256x1024xf32>
    %swap3A_33 = vector.shape_cast %swap3A_32 : vector<1x1x256x1024xf32> to vector<256x1024xf32>
    %swap3A_34 = vector.shape_cast %add3A_21 : vector<256x1024xf32> to vector<1x1x256x1024xf32>
    tpu.vector_store %arg7[%swap3A_28, %swap3A_29, %swap3A_30, %swap3A_31], %swap3A_34 {strides = array<i32>} : memref<2x1x256x1024xf32, #tpu.memory_space<vmem>>, vector<1x1x256x1024xf32>,
    return
  }
  func.func @transform_0(%arg0: i32, %arg1: i32) -> (i32, i32, i32) {
    %c0_i32 = arith.constant 0 : i32
    %c0_i32_0 = arith.constant 0 : i32
    return %arg0, %arg1, %c0_i32 : i32, i32, i32
  }
  func.func @transform_1(%arg0: i32, %arg1: i32) -> (i32, i32) {
    %c0_i32 = arith.constant 0 : i32
    %c0_i32_0 = arith.constant 0 : i32
    %c0_i32_1 = arith.constant 0 : i32
    return %c0_i32, %c0_i32_0 : i32, i32
  }
  func.func @transform_2(%arg0: i32, %arg1: i32) -> (i32, i32) {
    %c0_i32 = arith.constant 0 : i32
    %c0_i32_0 = arith.constant 0 : i32
    %c0_i32_1 = arith.constant 0 : i32
    return %c0_i32, %c0_i32_0 : i32, i32
  }
  func.func @transform_3(%arg0: i32, %arg1: i32) -> (i32, i32) {
    %c0_i32 = arith.constant 0 : i32
    %c0_i32_0 = arith.constant 0 : i32
    %c0_i32_1 = arith.constant 0 : i32
    return %c0_i32, %c0_i32_0 : i32, i32
  }
  func.func @transform_4(%arg0: i32, %arg1: i32) -> (i32, i32) {
    %c0_i32 = arith.constant 0 : i32
    %c0_i32_0 = arith.constant 0 : i32
    %c0_i32_1 = arith.constant 0 : i32
    return %c0_i32, %c0_i32_0 : i32, i32
  }
  func.func @transform_5(%arg0: i32, %arg1: i32) -> (i32, i32, i32, i32) {
    %c0_i32 = arith.constant 0 : i32
    %c0_i32_0 = arith.constant 0 : i32
    %c0_i32_1 = arith.constant 0 : i32
    return %c0_i32, %arg0, %arg1, %c0_i32_0 : i32, i32, i32, i32
  }
}

</mosaic_0001>

<sc_bundles>
// kernel: kernel.5.cloned.1.call-start
scs
__scs_entry_jumppad:
0x0: {  	(pc) =	sbr.rel $0x88, $3  }
0x1: {  	(tag) =	ssettag $0x0;
	lr =	simm.s32 $0x1  }
0x2: {  	[smem:$0x3F9A] =	sst lr;
	_ =	strace $0xD0000000  }
0x3: {  	_ = 	snop  }
0x4: {  	_ = 	snop  }
0x5: {  	_ = 	snop  }
0x6: {  	_ = 	snop  }
0x7: {  	_ = 	snop  }
__scs_overlays_trampoline_lowered:
0x8: {  	[smem:$0x3FA9] =	sst s0  }
0x9: {  	[smem:$0x3FAA] =	sst s1  }
0xa: {  	[smem:$0x3FAB] =	sst s2  }
0xb: {  	[smem:$0x3FAC] =	sst s3  }
0xc: {  	[smem:$0x3FAD] =	sst s4  }
0xd: {  	[smem:$0x3FAE] =	sst s5  }
0xe: {  	[smem:$0x3FAF] =	sst s6  }
0xf: {  	[smem:$0x3FB0] =	sst s7  }
0x10: {  	[smem:$0x3FB1] =	sst s8  }
0x11: {  	[smem:$0x3FB2] =	sst s9;
	s0 =	simm.s32 @!p0 $0x0  }
0x12: {  	s1 =	sld [smem:$0x3F98];
	s0 =	simm.s32 @p0 $0x1  }
0x13: {  	[smem:$0x3FB3] =	sst s0;
	s0 =	simm.s32 @!p1 $0x0  }
0x14: {  	s2 =	sld [smem:$0x3F97];
	s0 =	simm.s32 @p1 $0x1  }
0x15: {  	[smem:$0x3FB4] =	sst s0;
	s0 =	simm.s32 @!p2 $0x0  }
0x16: {  	s3 =	sld [smem:$0x3FDB];
	s0 =	simm.s32 @p2 $0x1  }
0x17: {  	s4 =	simm.s32 $0x1BF5;
	[smem:$0x3FB6] =	sst s0  }
0x18: {  	s0 =	sld [smem:$0x3F99];
	_ =	swait.ge [sflag:s4], $0x0  }
0x19: {  	s7 =	sld [smem:$0x3F9A]  }
0x1a: {  	s8 =	sadd.s32 $0xFFFFE003, lr  }
0x1b: {  	s9 =	sadd.s32 $0xFFFFFEF7, lr;
	s5 =	simm.s32 $0xFFFFFFFF;
	p2 =	slt.u32 s8, $0xFFFFF086  }
0x1c: {  	p1 =	slt.u32 s9, $0xF7A;
	s5 =	simm.s32 @!p2 $0x0  }
0x1d: {  	s5 =	simm.s32 @p1 $0x1;
	p0 =	seq.s32 s7, s2  }
0x1e: {  	s7 =	smul.u32 @!p0 $0xF7A, s2;
	p2 =	seq.s32 @!p0 s5, $0x0  }
0x1f: {  	s9 =	smul.u32 $0xF7A, s1;
	s8 =	simm.s32 @!p0 $0x1BF5;
	p2 =	por !p2, p0  }
0x20: {  	[sflag:s8] =	ssyncset.s32 @!p0 $0xFFFFF086;
	s6 =	sadd.s32 @!p0 s3, s7;
	s7 =	simm.s32 @!p0 $0x108  }
0x21: {  	s3 =	sadd.s32 s3, s9;
	s6 =	sadd.s32 @!p0 $0x88, s6;
	s7 =	simm.s32 @p2 $0x1082  }
0x22: {  	[simem:s7], [sflag:s8] =	dma.local @!p0 [hbm:s6], $0xF7A  }
0x23: {  	s9 =	sor.u32 $0xD0000000, s2;
	s6 =	simm.s32 $0x108;
	_ =	swait.ge @!p0 [sflag:s8], $0x0  }
0x24: {  	s3 =	sadd.s32 $0x88, s3;
	s6 =	simm.s32 @!p1 $0x1082;
	[sflag:s4] =	ssyncset.s32 $0xFFFFF086  }
0x25: {  	[simem:s6], [sflag:s4] =	dma.local [hbm:s3], $0xF7A  }
0x26: {  	[smem:$0x3F9A] =	sst s1;
	(tag) =	ssettag s2;
	_ =	strace s9  }
0x27: {  	s1 =	sld [smem:$0x3FAA]  }
0x28: {  	s2 =	sld [smem:$0x3FAB]  }
0x29: {  	s4 =	sld [smem:$0x3FAD]  }
0x2a: {  	p0 =	seq.s32 s5, $0x0;
	s5 =	sld [smem:$0x3FAE]  }
0x2b: {  	s6 =	sld [smem:$0x3FAF]  }
0x2c: {  	s7 =	sld [smem:$0x3FB0]  }
0x2d: {  	s3 =	simm.s32 $0x108;
	s8 =	sld [smem:$0x3FB1]  }
0x2e: {  	s3 =	simm.s32 @!p0 $0x1082;
	s9 =	sld [smem:$0x3FB2]  }
0x2f: {  	lr =	sadd.s32 s0, s3;
	s0 =	sld [smem:$0x3FA9]  }
0x30: {  	s3 =	sld [smem:$0x3FAC]  }
0x31: {  	[smem:$0x3FB5] =	sst s10  }
0x32: {  	s10 =	sld [smem:$0x3FB3];
	_ =	sdelay $0x3  }
0x33: {  	p0 =	seq.s32 s10, $0x1;
	s10 =	sld [smem:$0x3FB5];
	_ =	sdelay $0x3  }
0x34: {  	[smem:$0x3FB5] =	sst s10  }
0x35: {  	s10 =	sld [smem:$0x3FB4];
	_ =	sdelay $0x3  }
0x36: {  	p1 =	seq.s32 s10, $0x1;
	s10 =	sld [smem:$0x3FB5];
	_ =	sdelay $0x3  }
0x37: {  	[smem:$0x3FB5] =	sst s10  }
0x38: {  	s10 =	sld [smem:$0x3FB6]  }
0x39: {  	_ = 	snop;
	(pc) =	sbr.ind lr, $3  }
0x3a: {  	_ = 	snop  }
0x3b: {  	_ = 	snop  }
0x3c: {  	p2 =	seq.s32 s10, $0x1;
	s10 =	sld [smem:$0x3FB5]  }
0x3d: {  	_ =	shalt  }
0x3e: {  	_ =	shalt  }
0x3f: {  	_ =	shalt  }
0x40: {  	_ =	shalt  }
0x41: {  	_ =	shalt  }
0x42: {  	_ =	shalt  }
0x43: {  	_ =	shalt  }
0x44: {  	_ =	shalt  }
0x45: {  	_ =	shalt  }
0x46: {  	_ =	shalt  }
0x47: {  	_ =	shalt  }
0x48: {  	_ =	shalt  }
0x49: {  	_ =	shalt  }
0x4a: {  	_ =	shalt  }
0x4b: {  	_ =	shalt  }
0x4c: {  	_ =	shalt  }
0x4d: {  	_ =	shalt  }
0x4e: {  	_ =	shalt  }
0x4f: {  	_ =	shalt  }
0x50: {  	_ =	shalt  }
0x51: {  	_ =	shalt  }
0x52: {  	_ =	shalt  }
0x53: {  	_ =	shalt  }
0x54: {  	_ =	shalt  }
0x55: {  	_ =	shalt  }
0x56: {  	_ =	shalt  }
0x57: {  	_ =	shalt  }
0x58: {  	_ =	shalt  }
0x59: {  	_ =	shalt  }
0x5a: {  	_ =	shalt  }
0x5b: {  	_ =	shalt  }
0x5c: {  	_ =	shalt  }
0x5d: {  	_ =	shalt  }
0x5e: {  	_ =	shalt  }
0x5f: {  	_ =	shalt  }
0x60: {  	_ =	shalt  }
0x61: {  	_ =	shalt  }
0x62: {  	_ =	shalt  }
0x63: {  	_ =	shalt  }
0x64: {  	_ =	shalt  }
0x65: {  	_ =	shalt  }
0x66: {  	_ =	shalt  }
0x67: {  	_ =	shalt  }
0x68: {  	_ =	shalt  }
0x69: {  	_ =	shalt  }
0x6a: {  	_ =	shalt  }
0x6b: {  	_ =	shalt  }
0x6c: {  	_ =	shalt  }
0x6d: {  	_ =	shalt  }
0x6e: {  	_ =	shalt  }
0x6f: {  	_ =	shalt  }
0x70: {  	_ =	shalt  }
0x71: {  	_ =	shalt  }
0x72: {  	_ =	shalt  }
0x73: {  	_ =	shalt  }
0x74: {  	_ =	shalt  }
0x75: {  	_ =	shalt  }
0x76: {  	_ =	shalt  }
0x77: {  	_ =	shalt  }
0x78: {  	_ =	shalt  }
0x79: {  	_ =	shalt  }
0x7a: {  	_ =	shalt  }
0x7b: {  	_ =	shalt  }
0x7c: {  	_ =	shalt  }
0x7d: {  	_ =	shalt  }
0x7e: {  	_ =	shalt  }
0x7f: {  	_ =	shalt  }
0x80: {  	_ =	shalt  }
0x81: {  	_ =	shalt  }
0x82: {  	_ =	shalt  }
0x83: {  	_ =	shalt  }
0x84: {  	_ =	shalt  }
0x85: {  	_ =	shalt  }
0x86: {  	_ =	shalt  }
0x87: {  	_ =	shalt  }
.Lfunc_end0:
.L_simem_size_0:
called_computation_lowered:
.L_overlay_start_0:
0x88: {  	s2 =	sld [smem:$0x3FD9]  }
0x89: {  	s3 =	sld [smem:$0x3FFE];
	_ =	sdelay $0x1  }
0x8a: {  	s1 =	srdreg.scid  }
0x8b: {  	s0 =	sand.u32 $0x1, s1  }
0x8c: {  	s14 =	sshll.u32 s0, $0xA;
	s2 =	sadd.s32 s3, s2  }
0x8d: {  	s2 =	sadd.s32 s2, s14  }
0x8e: {  	[smem:$0x3FC1] =	sst s2  }
0x8f: {  	_ = 	snop  }
0x90: {  	s2 =	sld [smem:$0x3FD0];
	_ =	sdelay $0x2  }
0x91: {  	s15 =	simm.s32 $0xA;
	s4 =	simm.s32 $0x10  }
0x92: {  	[smem:s4], [sflag:s15] =	dma.local [hbm:s2], $0x1  }
0x93: {  	_ =	swait.eq [sflag:s15], $0x1  }
0x94: {  	s16 =	sld [smem:$0x13]  }
0x95: {  	s17 =	sld [smem:$0x14];
	[sflag:s15] =	ssyncset.done $0x0  }
0x96: {  	s5 =	sld [smem:$0x15];
	[sflag:s15] =	ssyncadd.s32 $0xFFFFFFFF  }
0x97: {  	s18 =	sld [smem:$0x16];
	(tm) =	ssettm $0x1  }
0x98: {  	s6 =	sld [smem:$0x3FFB];
	_ =	sdelay $0x3  }
0x99: {  	_ =	strace s6  }
0x9a: {  	s6 =	sld [smem:$0x3FFC];
	_ =	sdelay $0x3  }
0x9b: {  	_ =	strace s6  }
0x9c: {  	s6 =	sld [smem:$0x3FFD];
	_ =	sdelay $0x3  }
0x9d: {  	_ =	strace s6  }
0x9e: {  	_ =	strace $0x8FFFFFFF  }
0x9f: {  	s19 =	sld [smem:$0x3FDB];
	_ =	sdelay $0x1  }
0xa0: {  	s7 =	simm.s32 $_scs_section_size  }
0xa1: {  	s8 =	simm.s32 $_size__tile_overlayer_lowered;
	s9 =	simm.s32 $_tile_overlayer_lowered  }
0xa2: {  	s22 =	simm.s32 $0x1BFF;
	s21 =	sshll.u32 s9, $0x1;
	s6 =	sadd.s32 s7, s19  }
0xa3: {  	s10 =	simm.s32 $0x0;
	s20 =	sshll.u32 s8, $0x1;
	s8 =	sadd.s32 s21, s6  }
0xa4: {  	[timem:s10], [sflag:s22] =	dma.local [hbm:s8], s20  }
0xa5: {  	_ =	swait.ge [sflag:s22], s20  }
0xa6: {  	s7 =	ssub.s32 $0x0, s20;
	[sflag:s22] =	ssyncset.done $0x0  }
0xa7: {  	[sflag:s22] =	ssyncadd.s32 s7;
	_ =	sdelay $0x1  }
0xa8: {  	s23 =	simm.s32 $0x1B8B  }
0xa9: {  	_ =	swait.ge [sflag:s23], $0x1  }
0xaa: {  	[sflag:s23] =	ssyncset.done $0x0  }
0xab: {  	s25 =	simm.s32 $0x1B8E;
	s24 =	sld [smem:$0x3FFE];
	[sflag:s23] =	ssyncadd.s32 $0xFFFFFFFF  }
0xac: {  	s26 =	simm.s32 $execute0_lowered;
	[smem:$0x3FD2] =	sst s25  }
0xad: {  	s8 =	sshll.u32 s26, $0x1;
	_ =	strace $0x80000046;
	[dreg:$0x1] =	wrdreg $0xFFFFFFFF  }
0xae: {  	s28 =	simm.s32 $_size_execute0_lowered;
	s6 =	sadd.s32 s6, s8;
	[dreg:$0x0] =	wrdreg $0x0  }
0xaf: {  	s8 =	sshll.u32 s28, $0x1;
	[dreg:$0x2] =	wrdreg s6  }
0xb0: {  	[dreg:$0x3] =	wrdreg s8  }
0xb1: {  	[dreg:$0x4] =	wrdreg $0xC0  }
0xb2: {  	_ =	task [dreg:s10], $0x5FFFF  }
0xb3: {  	[dreg:$0x1] =	wrdreg $0xFFFFFFFF  }
0xb4: {  	[dreg:$0x0] =	wrdreg $0x60  }
0xb5: {  	[dreg:$0x2] =	wrdreg s24  }
0xb6: {  	[dreg:$0x3] =	wrdreg s16  }
0xb7: {  	[dreg:$0x4] =	wrdreg s17  }
0xb8: {  	[dreg:$0x5] =	wrdreg s5  }
0xb9: {  	[dreg:$0x6] =	wrdreg s18  }
0xba: {  	[dreg:$0x7] =	wrdreg $0x9  }
0xbb: {  	_ =	task.clear_ibuf [dreg:s10], $0x8FFFF;
	_ =	strace $0x90000046  }
0xbc: {  	s29 =	simm.s32 $0x9;
	_ =	strace $0x80000048  }
0xbd: {  	_ =	swait.ge [sflag:s29], $0x1  }
0xbe: {  	[sflag:s29] =	ssyncadd.s32 $0xFFFFFFFF  }
0xbf: {  	_ =	strace $0x90000048  }
0xc0: {  	_ =	sfence  }
0xc1: {  	s30 =	sld [smem:$0x0];
	_ =	sdelay $0x2  }
0xc2: {  	s31 =	sshll.u32 s1, $0xD;
	s1 =	sshrl.u32 s1, $0x2  }
0xc3: {  	s3 =	sand.u32 $0x4000, s31;
	s1 =	sadd.s32 s1, s30  }
0xc4: {  	s0 =	sor.u32 s3, s0;
	s1 =	sshll.u32 s1, $0x11  }
0xc5: {  	s0 =	sor.u32 s1, s0  }
0xc6: {  	s0 =	sadd.s32 $0x8F2B, s0  }
0xc7: {  	[sflag:s0] =	ssyncadd.remote.s32 $0x1  }
0xc8: {  	_ =	sfence.sel $0xFFFF  }
0xc9: {  	[dreg:$0x0] =	wrdreg $0xFFFFFFFF;
	(pc) =	sbr.abs _section_cstart, $3  }
0xca: {  	[dreg:$0x1] =	wrdreg $0xFFFFFFFF  }
0xcb: {  	_ =	task.clear_ibuf [dreg:s10], $0x2FFFF;
	_ =	strace $0x9FFFFFFF  }
0xcc: {  	(tm) =	ssettm $0x7FFFFFFF  }
0xcd: {  	_ =	shalt  }
tec
execute0_lowered:
.L_overlay_start_1:
0x0: {  	(tag) =	ssettag $0x1  }
0x1: {  	s0 =	rddreg [dreg:$0x0]  }
0x2: {  	s1 =	rddreg [dreg:$0x1]  }
0x3: {  	s2 =	srdreg.scid;
	s4 =	rddreg [dreg:$0x2]  }
0x4: {  	s20 =	stileid.u32;
	s9 =	rddreg [dreg:$0x3]  }
0x5: {  	s13 =	rddreg [dreg:$0x4];
	s28 =	simm.s32 $0xDD80;
	s29 =	simm.s32 $0x1  }
0x6: {  	s30 =	simm.s32 $0xE580;
	s31 =	simm.s32 $0x16580;
	s8 =	sand.u32 $0x1, s2  }
0x7: {  	s22 =	sshll.u32 s20, $0x1;
	s2 =	simm.s32 $0x0;
	s19 =	smul.u32 $0x4D000, s20  }
0x8: {  	p0 =	slt.u32 s20, $0x8;
	s10 =	sor.u32 s8, s22;
	s22 =	smul.u32 $0xE000, s20  }
0x9: {  	p1 =	sgt.u32 s20, $0x5;
	s5 =	smin.u32 s10, $0x3;
	s17 =	smul.u32 $0x16, s10  }
0xa: {  	[smem:$0x7FF] =	sst s2;
	s7 =	smin.u32 s10, $0xC;
	s6 =	smul.u32 $0x7, s5  }
0xb: {  	s15 =	ssub.s32 $0x2, s8;
	s20 =	simm.s32 $0x18D80;
	s12 =	smul.u32 $0x7, s7  }
0xc: {  	s3 =	sshll.u32 s10, $0x2;
	s11 =	smin.u32 s10, $0x10;
	s7 =	smul.u32 $0x1C00, s7  }
0xd: {  	_ =	strace $0x80000047;
	s16 =	sshrl.u32 s15, $0x1;
	s23 =	smul.u32 $0x1C00, s5  }
0xe: {  	s14 =	sadd.s32 s11, s3;
	s3 =	sadd.s32 $0x102400, s0;
	s26 =	smul.u32 $0x1C00, s11  }
0xf: {  	s15 =	ssub.s32 s15, s16;
	s5 =	sadd.s32 $0x102500, s0;
	s14 =	smul.u32 $0x7, s14  }
0x10: {  	s24 =	sadd.s32 s11, s17;
	s11 =	simm.s32 $0x5;
	s6 =	sadd.s32 s6, s0  }
0x11: {  	s12 =	sadd.s32 s12, s0;
	s18 =	sadd.s32 s7, s0;
	s17 =	smul.u32 $0x7, s24  }
0x12: {  	s7 =	sadd.s32 $0x102700, s0;
	s4 =	sadd.s32 s4, s23;
	s23 =	smul.u32 $0x7000, s8  }
0x13: {  	s11 =	simm.s32 @!p0 $0x4;
	s8 =	smul.u32 $0x26800, s8;
	s24 =	smax.u32 s15, $0x1  }
0x14: {  	s16 =	sadd.s32 s26, s9;
	s15 =	simm.s32 $0x15D80;
	s14 =	sadd.s32 s14, s0  }
0x15: {  	s6 =	sadd.s32 $0x101A00, s6;
	s25 =	sadd.s32 $0x101C00, s12;
	[dreg:$0x8] =	wrdreg s4  }
0x16: {  	s21 =	sadd.s32 $0x302400, s18;
	s12 =	simm.s32 $0x17;
	[dreg:$0xc] =	wrdreg s24  }
0x17: {  	s18 =	sadd.s32 s26, s13;
	s4 =	simm.s32 $0x17580;
	[dreg:$0x6] =	wrdreg s6  }
0x18: {  	s13 =	simm.s32 $0x1B580;
	s24 =	simm.s32 $0x1BD80;
	[dreg:$0x7] =	wrdreg s25  }
0x19: {  	s6 =	sadd.s32 $0x102600, s0;
	[dreg:$0x9] =	wrdreg s21;
	s14 =	sadd.s32 $0x101E00, s14  }
0x1a: {  	s12 =	simm.s32 @!p0 $0x16;
	s1 =	sadd.s32 s1, s17;
	s25 =	sadd.s32 s23, s22  }
0x1b: {  	s26 =	sadd.s32 s8, s19;
	p0 =	sgt.u32 s10, $0x2;
	s21 =	simm.s32 $0x580  }
.Ltmp0:
0x1c: {  	s10 =	simm.s32 $0x15580;
	[dreg:$0xa] =	wrdreg s14;
	(pc) =	sbr.rel .LBB2_1-.Ltmp0, $4  }
0x1d: {  	s17 =	simm.s32 $0x16D80;
	s19 =	simm.s32 $0x17D80;
	[dreg:$0xb] =	wrdreg s1  }
0x1e: {  	v2 =	vlaneseq.u32;
	s8 =	simm.s32 $0x19580;
	s22 =	simm.s32 $0x19D80;
	[dreg:$0xd] =	wrdreg s25  }
0x1f: {  	vm0 =	vmmov $0xffff;
	v1 =	vshrl.u32 v2, $0x3;
	s0 =	simm.s32 $0x1A580;
	s23 =	simm.s32 $0x1AD80;
	[dreg:$0xe] =	wrdreg s26  }
0x20: {  	v0 =	vand.u32 $0x7, v2;
	v2 =	vor.u32 $0x8, v2;
	v1 =	vmul.u32 $0x8, v1;
	s14 =	simm.s32 $0x4;
	s1 =	simm.s32 $0x18580;
	s25 =	simm.s32 $0x0  }
.LBB2_17:
0x21: {  	s9 =	simm.s32 $0x2  }
0x22: {  	_ =	swait.ge [sflag:s9], $0xE000  }
0x23: {  	[sflag:s9] =	ssyncset.done $0x0  }
0x24: {  	s14 =	simm.s32 $0x3;
	[sflag:s9] =	ssyncadd.s32 $0xFFFF2000  }
0x25: {  	_ =	swait.ge [sflag:s14], $0xE000  }
0x26: {  	s25 =	rddreg [dreg:$0xf]  }
0x27: {  	s26 =	rddreg [dreg:$0xc];
	s25 =	sadd.s32 $0x1, s25  }
0x28: {  	p2 =	sne.s32 s25, s26  }
.Ltmp1:
0x29: {  	_ = 	snop;
	(pc) =	sbr.rel @!p2 .LBB2_18-.Ltmp1, $3  }
0x2a: {  	_ =	sdelay $0x1  }
0x2b: {  	[sflag:s14] =	ssyncset.done $0x0  }
0x2c: {  	[sflag:s14] =	ssyncadd.s32 $0xFFFF2000;
	s14 =	simm.s32 $0x4  }
.LBB2_1:
.Ltmp2:
0x2d: {  	s9 =	rddreg [dreg:$0x6];
	(pc) =	sbr.rel @p0 .LBB2_3-.Ltmp2, $4  }
0x2e: {  	[tilespmem:s2], [sflag:$0x4] =	stream.linear.gather [hbm4b:s9+s2], $0x38, $0x38;
	[tilespmem:$0x1C580] =	vst v63  }
0x2f: {  	_ =	swait.ge [sflag:s14], $0x38  }
0x30: {  	[sflag:s14] =	ssyncset.done $0x0  }
0x31: {  	[sflag:s14] =	ssyncadd.s32 $0xFFFFFFC8  }
0x32: {  	v3 =	vld [tilespmem:$0x0];
	_ =	sdelay $0x4  }
0x33: {  	v4 =	vshll.u32 v3, $0x3  }
0x34: {  	v3 =	vand.u32 $0x7, v3;
	v4 =	vand.u32 $0xFFFFFFC0, v4  }
0x35: {  	v3 =	vor.u32 v3, v4  }
0x36: {  	v4 =	vperm.xlane v3, v0;
	_ =	sdelay $0x1  }
0x37: {  	v4 =	vadd.s32 v1, v4;
	_ =	sdelay $0x4  }
0x38: {  	[tilespmem:s21], [sflag:$0x1] =	stream.indirect_vreg.gather [hbm4b:s3+s2], $0x80, v4, vm0, $0xb8;
	[tilespmem:$0x1C580] =	vst v63  }
0x39: {  	s9 =	simm.s32 $0xD80;
	v3 =	vperm.xlane v3, v2  }
0x3a: {  	[tilespmem:s9], [sflag:$0x1] =	stream.indirect_vreg.gather [hbm4b:s5+s2], $0x80, v4, vm0, $0xb8;
	[tilespmem:$0x1C580] =	vst v63  }
0x3b: {  	s26 =	simm.s32 $0x1580;
	v3 =	vadd.s32 v1, v3  }
0x3c: {  	[tilespmem:s26], [sflag:$0x1] =	stream.indirect_vreg.gather [hbm4b:s6+s2], $0x80, v4, vm0, $0xb8;
	[tilespmem:$0x1C580] =	vst v63  }
0x3d: {  	s26 =	simm.s32 $0x1D80  }
0x3e: {  	[tilespmem:s26], [sflag:$0x1] =	stream.indirect_vreg.gather [hbm4b:s7+s2], $0x80, v4, vm0, $0xb8;
	[tilespmem:$0x1C580] =	vst v63  }
0x3f: {  	s26 =	simm.s32 $0x2580  }
0x40: {  	[tilespmem:s26], [sflag:$0x1] =	stream.indirect_vreg.gather [hbm4b:s3+s2], $0x80, v3, vm0, $0xb8;
	[tilespmem:$0x1C580] =	vst v63  }
0x41: {  	s26 =	simm.s32 $0x2D80  }
0x42: {  	[tilespmem:s26], [sflag:$0x1] =	stream.indirect_vreg.gather [hbm4b:s5+s2], $0x80, v3, vm0, $0xb8;
	[tilespmem:$0x1C580] =	vst v63  }
0x43: {  	s26 =	simm.s32 $0x3580  }
0x44: {  	[tilespmem:s26], [sflag:$0x1] =	stream.indirect_vreg.gather [hbm4b:s6+s2], $0x80, v3, vm0, $0xb8;
	[tilespmem:$0x1C580] =	vst v63  }
0x45: {  	s26 =	simm.s32 $0x3D80  }
0x46: {  	[tilespmem:s26], [sflag:$0x1] =	stream.indirect_vreg.gather [hbm4b:s7+s2], $0x80, v3, vm0, $0xb8;
	[tilespmem:$0x1C580] =	vst v63  }
0x47: {  	v3 =	vld [tilespmem:$0x10];
	_ =	sdelay $0x4  }
0x48: {  	v61 =	vshll.u32 v3, $0x3  }
0x49: {  	v3 =	vand.u32 $0x7, v3;
	v4 =	vand.u32 $0xFFFFFFC0, v61  }
0x4a: {  	v3 =	vor.u32 v3, v4  }
0x4b: {  	v4 =	vperm.xlane v3, v0;
	_ =	sdelay $0x1  }
0x4c: {  	v4 =	vadd.s32 v1, v4;
	_ =	sdelay $0x3  }
0x4d: {  	s26 =	simm.s32 $0x4580  }
0x4e: {  	[tilespmem:s26], [sflag:$0x1] =	stream.indirect_vreg.gather [hbm4b:s3+s2], $0x80, v4, vm0, $0xb8;
	[tilespmem:$0x1C580] =	vst v63  }
0x4f: {  	v3 =	vperm.xlane v3, v2;
	s26 =	simm.s32 $0x4D80  }
0x50: {  	[tilespmem:s26], [sflag:$0x1] =	stream.indirect_vreg.gather [hbm4b:s5+s2], $0x80, v4, vm0, $0xb8;
	[tilespmem:$0x1C580] =	vst v63  }
0x51: {  	v3 =	vadd.s32 v1, v3;
	s26 =	simm.s32 $0x5580  }
0x52: {  	[tilespmem:s26], [sflag:$0x1] =	stream.indirect_vreg.gather [hbm4b:s6+s2], $0x80, v4, vm0, $0xb8;
	[tilespmem:$0x1C580] =	vst v63  }
0x53: {  	s26 =	simm.s32 $0x5D80  }
0x54: {  	[tilespmem:s26], [sflag:$0x1] =	stream.indirect_vreg.gather [hbm4b:s7+s2], $0x80, v4, vm0, $0xb8;
	[tilespmem:$0x1C580] =	vst v63  }
0x55: {  	s26 =	simm.s32 $0x6580  }
0x56: {  	[tilespmem:s26], [sflag:$0x1] =	stream.indirect_vreg.gather [hbm4b:s3+s2], $0x80, v3, vm0, $0xb8;
	[tilespmem:$0x1C580] =	vst v63  }
0x57: {  	s26 =	simm.s32 $0x6D80  }
0x58: {  	[tilespmem:s26], [sflag:$0x1] =	stream.indirect_vreg.gather [hbm4b:s5+s2], $0x80, v3, vm0, $0xb8;
	[tilespmem:$0x1C580] =	vst v63  }
0x59: {  	s26 =	simm.s32 $0x7580  }
0x5a: {  	[tilespmem:s26], [sflag:$0x1] =	stream.indirect_vreg.gather [hbm4b:s6+s2], $0x80, v3, vm0, $0xb8;
	[tilespmem:$0x1C580] =	vst v63  }
0x5b: {  	s26 =	simm.s32 $0x7D80  }
0x5c: {  	[tilespmem:s26], [sflag:$0x1] =	stream.indirect_vreg.gather [hbm4b:s7+s2], $0x80, v3, vm0, $0xb8;
	[tilespmem:$0x1C580] =	vst v63  }
0x5d: {  	v3 =	vld [tilespmem:$0x20];
	_ =	sdelay $0x4  }
0x5e: {  	v62 =	vshll.u32 v3, $0x3  }
0x5f: {  	v3 =	vand.u32 $0x7, v3;
	v4 =	vand.u32 $0xFFFFFFC0, v62  }
0x60: {  	v3 =	vor.u32 v3, v4  }
0x61: {  	v4 =	vperm.xlane v3, v0;
	_ =	sdelay $0x1  }
0x62: {  	v4 =	vadd.s32 v1, v4;
	_ =	sdelay $0x3  }
0x63: {  	s26 =	simm.s32 $0x8580  }
0x64: {  	[tilespmem:s26], [sflag:$0x1] =	stream.indirect_vreg.gather [hbm4b:s3+s2], $0x80, v4, vm0, $0xb8;
	[tilespmem:$0x1C580] =	vst v63  }
0x65: {  	v3 =	vperm.xlane v3, v2;
	s26 =	simm.s32 $0x8D80  }
0x66: {  	[tilespmem:s26], [sflag:$0x1] =	stream.indirect_vreg.gather [hbm4b:s5+s2], $0x80, v4, vm0, $0xb8;
	[tilespmem:$0x1C580] =	vst v63  }
0x67: {  	v3 =	vadd.s32 v1, v3;
	s26 =	simm.s32 $0x9580  }
0x68: {  	[tilespmem:s26], [sflag:$0x1] =	stream.indirect_vreg.gather [hbm4b:s6+s2], $0x80, v4, vm0, $0xb8;
	[tilespmem:$0x1C580] =	vst v63  }
0x69: {  	s26 =	simm.s32 $0x9D80  }
0x6a: {  	[tilespmem:s26], [sflag:$0x1] =	stream.indirect_vreg.gather [hbm4b:s7+s2], $0x80, v4, vm0, $0xb8;
	[tilespmem:$0x1C580] =	vst v63  }
0x6b: {  	s26 =	simm.s32 $0xA580  }
0x6c: {  	[tilespmem:s26], [sflag:$0x1] =	stream.indirect_vreg.gather [hbm4b:s3+s2], $0x80, v3, vm0, $0xb8;
	[tilespmem:$0x1C580] =	vst v63  }
0x6d: {  	s26 =	simm.s32 $0xAD80  }
0x6e: {  	[tilespmem:s26], [sflag:$0x1] =	stream.indirect_vreg.gather [hbm4b:s5+s2], $0x80, v3, vm0, $0xb8;
	[tilespmem:$0x1C580] =	vst v63  }
0x6f: {  	s26 =	simm.s32 $0xB580  }
0x70: {  	[tilespmem:s26], [sflag:$0x1] =	stream.indirect_vreg.gather [hbm4b:s6+s2], $0x80, v3, vm0, $0xb8;
	[tilespmem:$0x1C580] =	vst v63  }
0x71: {  	s26 =	simm.s32 $0xBD80  }
0x72: {  	[tilespmem:s26], [sflag:$0x1] =	stream.indirect_vreg.gather [hbm4b:s7+s2], $0x80, v3, vm0, $0xb8;
	[tilespmem:$0x1C580] =	vst v63  }
0x73: {  	v3 =	vld.msk [tilespmem:$0x30], $0xff;
	_ =	sdelay $0x4  }
0x74: {  	v63 =	vshll.u32 v3, $0x3  }
0x75: {  	v3 =	vand.u32 $0x7, v3;
	v4 =	vand.u32 $0xFFFFFFC0, v63  }
0x76: {  	v3 =	vor.u32 v3, v4  }
0x77: {  	v3 =	vperm.xlane v3, v0;
	_ =	sdelay $0x1  }
0x78: {  	v3 =	vadd.s32 v1, v3;
	_ =	sdelay $0x3  }
0x79: {  	s26 =	simm.s32 $0xC580  }
0x7a: {  	[tilespmem:s26], [sflag:$0x1] =	stream.indirect_vreg.gather [hbm4b:s3+s2], $0x80, v3, vm0, $0xb8;
	[tilespmem:$0x1C580] =	vst v63  }
0x7b: {  	s26 =	simm.s32 $0xCD80  }
0x7c: {  	[tilespmem:s26], [sflag:$0x1] =	stream.indirect_vreg.gather [hbm4b:s5+s2], $0x80, v3, vm0, $0xb8;
	[tilespmem:$0x1C580] =	vst v63  }
0x7d: {  	s26 =	simm.s32 $0xD580  }
0x7e: {  	[tilespmem:s26], [sflag:$0x1] =	stream.indirect_vreg.gather [hbm4b:s6+s2], $0x80, v3, vm0, $0xb8;
	[tilespmem:$0x1C580] =	vst v63  }
0x7f: {  	_ = 	snop  }
0x80: {  	[tilespmem:s28], [sflag:$0x1] =	stream.indirect_vreg.gather [hbm4b:s7+s2], $0x80, v3, vm0, $0xb8;
	[tilespmem:$0x1C580] =	vst v63  }
0x81: {  	_ =	swait.ge [sflag:s29], $0xE000  }
0x82: {  	[sflag:s29] =	ssyncset.done $0x0  }
0x83: {  	s26 =	rddreg [dreg:$0x8];
	[sflag:s29] =	ssyncadd.s32 $0xFFFF2000  }
0x84: {  	[hbm4b:s26+s2] =	stream.linear.scatter [tilespmem:s21], [sflag:$0x2], $0xE000, $0x38;
	[tilespmem:$0x1C580] =	vst v63  }
0x85: {  	s26 =	simm.s32 $0x2  }
0x86: {  	_ =	swait.ge [sflag:s26], $0xE000  }
0x87: {  	[sflag:s26] =	ssyncset.done $0x0  }
0x88: {  	[sflag:s26] =	ssyncadd.s32 $0xFFFF2000  }
.LBB2_3:
0x89: {  	[dreg:$0xf] =	wrdreg s25  }
.Ltmp3:
0x8a: {  	s9 =	rddreg [dreg:$0x7];
	(pc) =	sbr.rel @p1 .LBB2_5-.Ltmp3, $4  }
0x8b: {  	[tilespmem:s2], [sflag:$0x4] =	stream.linear.gather [hbm4b:s9+s2], $0x38, $0x38;
	[tilespmem:$0x1C580] =	vst v63  }
0x8c: {  	_ =	swait.ge [sflag:s14], $0x38  }
0x8d: {  	[sflag:s14] =	ssyncset.done $0x0  }
0x8e: {  	[sflag:s14] =	ssyncadd.s32 $0xFFFFFFC8  }
0x8f: {  	v3 =	vld [tilespmem:$0x0];
	_ =	sdelay $0x4  }
0x90: {  	v4 =	vshll.u32 v3, $0x3  }
0x91: {  	v3 =	vand.u32 $0x7, v3;
	v4 =	vand.u32 $0xFFFFFFC0, v4  }
0x92: {  	v3 =	vor.u32 v3, v4  }
0x93: {  	v4 =	vperm.xlane v3, v0;
	_ =	sdelay $0x1  }
0x94: {  	v4 =	vadd.s32 v1, v4;
	_ =	sdelay $0x4  }
0x95: {  	[tilespmem:s21], [sflag:$0x1] =	stream.indirect_vreg.gather [hbm4b:s3+s2], $0x80, v4, vm0, $0xb8;
	[tilespmem:$0x1C580] =	vst v63  }
0x96: {  	s9 =	simm.s32 $0xD80;
	v3 =	vperm.xlane v3, v2  }
0x97: {  	[tilespmem:s9], [sflag:$0x1] =	stream.indirect_vreg.gather [hbm4b:s5+s2], $0x80, v4, vm0, $0xb8;
	[tilespmem:$0x1C580] =	vst v63  }
0x98: {  	s26 =	simm.s32 $0x1580;
	v3 =	vadd.s32 v1, v3  }
0x99: {  	[tilespmem:s26], [sflag:$0x1] =	stream.indirect_vreg.gather [hbm4b:s6+s2], $0x80, v4, vm0, $0xb8;
	[tilespmem:$0x1C580] =	vst v63  }
0x9a: {  	s25 =	simm.s32 $0x1D80  }
0x9b: {  	[tilespmem:s25], [sflag:$0x1] =	stream.indirect_vreg.gather [hbm4b:s7+s2], $0x80, v4, vm0, $0xb8;
	[tilespmem:$0x1C580] =	vst v63  }
0x9c: {  	s26 =	simm.s32 $0x2580  }
0x9d: {  	[tilespmem:s26], [sflag:$0x1] =	stream.indirect_vreg.gather [hbm4b:s3+s2], $0x80, v3, vm0, $0xb8;
	[tilespmem:$0x1C580] =	vst v63  }
0x9e: {  	s25 =	simm.s32 $0x2D80  }
0x9f: {  	[tilespmem:s25], [sflag:$0x1] =	stream.indirect_vreg.gather [hbm4b:s5+s2], $0x80, v3, vm0, $0xb8;
	[tilespmem:$0x1C580] =	vst v63  }
0xa0: {  	s26 =	simm.s32 $0x3580  }
0xa1: {  	[tilespmem:s26], [sflag:$0x1] =	stream.indirect_vreg.gather [hbm4b:s6+s2], $0x80, v3, vm0, $0xb8;
	[tilespmem:$0x1C580] =	vst v63  }
0xa2: {  	s25 =	simm.s32 $0x3D80  }
0xa3: {  	[tilespmem:s25], [sflag:$0x1] =	stream.indirect_vreg.gather [hbm4b:s7+s2], $0x80, v3, vm0, $0xb8;
	[tilespmem:$0x1C580] =	vst v63  }
0xa4: {  	v3 =	vld [tilespmem:$0x10];
	_ =	sdelay $0x4  }
0xa5: {  	v61 =	vshll.u32 v3, $0x3  }
0xa6: {  	v3 =	vand.u32 $0x7, v3;
	v4 =	vand.u32 $0xFFFFFFC0, v61  }
0xa7: {  	v3 =	vor.u32 v3, v4  }
0xa8: {  	v4 =	vperm.xlane v3, v0;
	_ =	sdelay $0x1  }
0xa9: {  	v4 =	vadd.s32 v1, v4;
	_ =	sdelay $0x3  }
0xaa: {  	s26 =	simm.s32 $0x4580  }
0xab: {  	[tilespmem:s26], [sflag:$0x1] =	stream.indirect_vreg.gather [hbm4b:s3+s2], $0x80, v4, vm0, $0xb8;
	[tilespmem:$0x1C580] =	vst v63  }
0xac: {  	s25 =	simm.s32 $0x4D80;
	v3 =	vperm.xlane v3, v2  }
0xad: {  	[tilespmem:s25], [sflag:$0x1] =	stream.indirect_vreg.gather [hbm4b:s5+s2], $0x80, v4, vm0, $0xb8;
	[tilespmem:$0x1C580] =	vst v63  }
0xae: {  	v3 =	vadd.s32 v1, v3;
	s26 =	simm.s32 $0x5580  }
0xaf: {  	[tilespmem:s26], [sflag:$0x1] =	stream.indirect_vreg.gather [hbm4b:s6+s2], $0x80, v4, vm0, $0xb8;
	[tilespmem:$0x1C580] =	vst v63  }
0xb0: {  	s25 =	simm.s32 $0x5D80  }
0xb1: {  	[tilespmem:s25], [sflag:$0x1] =	stream.indirect_vreg.gather [hbm4b:s7+s2], $0x80, v4, vm0, $0xb8;
	[tilespmem:$0x1C580] =	vst v63  }
0xb2: {  	s26 =	simm.s32 $0x6580  }
0xb3: {  	[tilespmem:s26], [sflag:$0x1] =	stream.indirect_vreg.gather [hbm4b:s3+s2], $0x80, v3, vm0, $0xb8;
	[tilespmem:$0x1C580] =	vst v63  }
0xb4: {  	s25 =	simm.s32 $0x6D80  }
0xb5: {  	[tilespmem:s25], [sflag:$0x1] =	stream.indirect_vreg.gather [hbm4b:s5+s2], $0x80, v3, vm0, $0xb8;
	[tilespmem:$0x1C580] =	vst v63  }
0xb6: {  	s26 =	simm.s32 $0x7580  }
0xb7: {  	[tilespmem:s26], [sflag:$0x1] =	stream.indirect_vreg.gather [hbm4b:s6+s2], $0x80, v3, vm0, $0xb8;
	[tilespmem:$0x1C580] =	vst v63  }
0xb8: {  	s25 =	simm.s32 $0x7D80  }
0xb9: {  	[tilespmem:s25], [sflag:$0x1] =	stream.indirect_vreg.gather [hbm4b:s7+s2], $0x80, v3, vm0, $0xb8;
	[tilespmem:$0x1C580] =	vst v63  }
0xba: {  	v3 =	vld [tilespmem:$0x20];
	_ =	sdelay $0x4  }
0xbb: {  	v62 =	vshll.u32 v3, $0x3  }
0xbc: {  	v3 =	vand.u32 $0x7, v3;
	v4 =	vand.u32 $0xFFFFFFC0, v62  }
0xbd: {  	v3 =	vor.u32 v3, v4  }
0xbe: {  	v4 =	vperm.xlane v3, v0;
	_ =	sdelay $0x1  }
0xbf: {  	v4 =	vadd.s32 v1, v4;
	_ =	sdelay $0x3  }
0xc0: {  	s26 =	simm.s32 $0x8580  }
0xc1: {  	[tilespmem:s26], [sflag:$0x1] =	stream.indirect_vreg.gather [hbm4b:s3+s2], $0x80, v4, vm0, $0xb8;
	[tilespmem:$0x1C580] =	vst v63  }
0xc2: {  	s25 =	simm.s32 $0x8D80;
	v3 =	vperm.xlane v3, v2  }
0xc3: {  	[tilespmem:s25], [sflag:$0x1] =	stream.indirect_vreg.gather [hbm4b:s5+s2], $0x80, v4, vm0, $0xb8;
	[tilespmem:$0x1C580] =	vst v63  }
0xc4: {  	v3 =	vadd.s32 v1, v3;
	s26 =	simm.s32 $0x9580  }
0xc5: {  	[tilespmem:s26], [sflag:$0x1] =	stream.indirect_vreg.gather [hbm4b:s6+s2], $0x80, v4, vm0, $0xb8;
	[tilespmem:$0x1C580] =	vst v63  }
0xc6: {  	s25 =	simm.s32 $0x9D80  }
0xc7: {  	[tilespmem:s25], [sflag:$0x1] =	stream.indirect_vreg.gather [hbm4b:s7+s2], $0x80, v4, vm0, $0xb8;
	[tilespmem:$0x1C580] =	vst v63  }
0xc8: {  	s26 =	simm.s32 $0xA580  }
0xc9: {  	[tilespmem:s26], [sflag:$0x1] =	stream.indirect_vreg.gather [hbm4b:s3+s2], $0x80, v3, vm0, $0xb8;
	[tilespmem:$0x1C580] =	vst v63  }
0xca: {  	s25 =	simm.s32 $0xAD80  }
0xcb: {  	[tilespmem:s25], [sflag:$0x1] =	stream.indirect_vreg.gather [hbm4b:s5+s2], $0x80, v3, vm0, $0xb8;
	[tilespmem:$0x1C580] =	vst v63  }
0xcc: {  	s26 =	simm.s32 $0xB580  }
0xcd: {  	[tilespmem:s26], [sflag:$0x1] =	stream.indirect_vreg.gather [hbm4b:s6+s2], $0x80, v3, vm0, $0xb8;
	[tilespmem:$0x1C580] =	vst v63  }
0xce: {  	s25 =	simm.s32 $0xBD80  }
0xcf: {  	[tilespmem:s25], [sflag:$0x1] =	stream.indirect_vreg.gather [hbm4b:s7+s2], $0x80, v3, vm0, $0xb8;
	[tilespmem:$0x1C580] =	vst v63  }
0xd0: {  	v3 =	vld.msk [tilespmem:$0x30], $0xff;
	_ =	sdelay $0x4  }
0xd1: {  	v63 =	vshll.u32 v3, $0x3  }
0xd2: {  	v3 =	vand.u32 $0x7, v3;
	v4 =	vand.u32 $0xFFFFFFC0, v63  }
0xd3: {  	v3 =	vor.u32 v3, v4  }
0xd4: {  	v3 =	vperm.xlane v3, v0;
	_ =	sdelay $0x1  }
0xd5: {  	v3 =	vadd.s32 v1, v3;
	_ =	sdelay $0x3  }
0xd6: {  	s26 =	simm.s32 $0xC580  }
0xd7: {  	[tilespmem:s26], [sflag:$0x1] =	stream.indirect_vreg.gather [hbm4b:s3+s2], $0x80, v3, vm0, $0xb8;
	[tilespmem:$0x1C580] =	vst v63  }
0xd8: {  	s25 =	simm.s32 $0xCD80  }
0xd9: {  	[tilespmem:s25], [sflag:$0x1] =	stream.indirect_vreg.gather [hbm4b:s5+s2], $0x80, v3, vm0, $0xb8;
	[tilespmem:$0x1C580] =	vst v63  }
0xda: {  	s26 =	simm.s32 $0xD580  }
0xdb: {  	[tilespmem:s26], [sflag:$0x1] =	stream.indirect_vreg.gather [hbm4b:s6+s2], $0x80, v3, vm0, $0xb8;
	[tilespmem:$0x1C580] =	vst v63  }
0xdc: {  	_ = 	snop  }
0xdd: {  	[tilespmem:s28], [sflag:$0x1] =	stream.indirect_vreg.gather [hbm4b:s7+s2], $0x80, v3, vm0, $0xb8;
	[tilespmem:$0x1C580] =	vst v63  }
0xde: {  	_ =	swait.ge [sflag:s29], $0xE000  }
0xdf: {  	[sflag:s29] =	ssyncset.done $0x0  }
0xe0: {  	s26 =	simm.s32 $0x2;
	s25 =	rddreg [dreg:$0x9];
	[sflag:s29] =	ssyncadd.s32 $0xFFFF2000  }
0xe1: {  	[hbm4b:s25+s2] =	stream.linear.scatter [tilespmem:s21], [sflag:$0x2], $0xE000, $0x38;
	[tilespmem:$0x1C580] =	vst v63  }
0xe2: {  	_ =	swait.ge [sflag:s26], $0xE000  }
0xe3: {  	[sflag:s26] =	ssyncset.done $0x0  }
0xe4: {  	[sflag:s26] =	ssyncadd.s32 $0xFFFF2000  }
.LBB2_5:
.Ltmp4:
0xe5: {  	s9 =	rddreg [dreg:$0xa];
	(pc) =	sbr.rel .LBB2_6-.Ltmp4, $4  }
0xe6: {  	[tilespmem:s2], [sflag:$0x4] =	stream.linear.gather [hbm4b:s9+s2], $0x118, $0x38;
	[tilespmem:$0x1C580] =	vst v63  }
0xe7: {  	_ =	swait.ge [sflag:s14], $0x118  }
0xe8: {  	s25 =	simm.s32 $0x38;
	[sflag:s14] =	ssyncset.done $0x0  }
0xe9: {  	s9 =	simm.s32 $0x1;
	[sflag:s14] =	ssyncadd.s32 $0xFFFFFEE8;
	s14 =	rddreg [dreg:$0xd]  }
.LBB2_10:
0xea: {  	s9 =	sadd.s32 $0x2, s9  }
0xeb: {  	p2 =	sne.s32 s9, $0x7  }
.Ltmp5:
0xec: {  	_ = 	snop;
	(pc) =	sbr.rel @!p2 .LBB2_11-.Ltmp5, $2  }
0xed: {  	_ =	sdelay $0x2  }
0xee: {  	s14 =	sadd.s32 $0x3800, s14;
	s25 =	sadd.s32 $0x70, s25  }
.LBB2_6:
0xef: {  	s26 =	sadd.s32 $0xFFFFFFFF, s9  }
0xf0: {  	p3 =	sge.u32 s26, s11  }
.Ltmp6:
0xf1: {  	_ = 	snop;
	(pc) =	sbr.rel @p3 .LBB2_8-.Ltmp6, $2  }
0xf2: {  	_ =	sdelay $0x2  }
0xf3: {  	p2 =	seq.s32 s9, $0x1  }
0xf4: {  	s26 =	simm.s32 @!p2 $0x2  }
0xf5: {  	_ =	swait.ge @!p2 [sflag:s26], $0xE000  }
0xf6: {  	[sflag:s26] =	ssyncset.done @!p2 $0x0  }
0xf7: {  	[sflag:s26] =	ssyncadd.s32 @!p2 $0xFFFF2000  }
0xf8: {  	v3 =	vld [tilespmem:s25+$0xFFFFFFC8];
	_ =	sdelay $0x4  }
0xf9: {  	v4 =	vshll.u32 v3, $0x3  }
0xfa: {  	v3 =	vand.u32 $0x7, v3;
	v4 =	vand.u32 $0xFFFFFFC0, v4  }
0xfb: {  	v3 =	vor.u32 v3, v4  }
0xfc: {  	v4 =	vperm.xlane v3, v0;
	_ =	sdelay $0x1  }
0xfd: {  	v4 =	vadd.s32 v1, v4;
	_ =	sdelay $0x4  }
0xfe: {  	[tilespmem:s21], [sflag:$0x1] =	stream.indirect_vreg.gather [hbm4b:s3+s2], $0x80, v4, vm0, $0xb8;
	[tilespmem:$0x1C580] =	vst v63  }
0xff: {  	s26 =	simm.s32 $0xD80;
	v3 =	vperm.xlane v3, v2  }
0x100: {  	[tilespmem:s26], [sflag:$0x1] =	stream.indirect_vreg.gather [hbm4b:s5+s2], $0x80, v4, vm0, $0xb8;
	[tilespmem:$0x1C580] =	vst v63  }
0x101: {  	v3 =	vadd.s32 v1, v3;
	s26 =	simm.s32 $0x1580  }
0x102: {  	[tilespmem:s26], [sflag:$0x1] =	stream.indirect_vreg.gather [hbm4b:s6+s2], $0x80, v4, vm0, $0xb8;
	[tilespmem:$0x1C580] =	vst v63  }
0x103: {  	s26 =	simm.s32 $0x1D80  }
0x104: {  	[tilespmem:s26], [sflag:$0x1] =	stream.indirect_vreg.gather [hbm4b:s7+s2], $0x80, v4, vm0, $0xb8;
	[tilespmem:$0x1C580] =	vst v63  }
0x105: {  	s26 =	simm.s32 $0x2580  }
0x106: {  	[tilespmem:s26], [sflag:$0x1] =	stream.indirect_vreg.gather [hbm4b:s3+s2], $0x80, v3, vm0, $0xb8;
	[tilespmem:$0x1C580] =	vst v63  }
0x107: {  	s26 =	simm.s32 $0x2D80  }
0x108: {  	[tilespmem:s26], [sflag:$0x1] =	stream.indirect_vreg.gather [hbm4b:s5+s2], $0x80, v3, vm0, $0xb8;
	[tilespmem:$0x1C580] =	vst v63  }
0x109: {  	s26 =	simm.s32 $0x3580  }
0x10a: {  	[tilespmem:s26], [sflag:$0x1] =	stream.indirect_vreg.gather [hbm4b:s6+s2], $0x80, v3, vm0, $0xb8;
	[tilespmem:$0x1C580] =	vst v63  }
0x10b: {  	s26 =	simm.s32 $0x3D80  }
0x10c: {  	[tilespmem:s26], [sflag:$0x1] =	stream.indirect_vreg.gather [hbm4b:s7+s2], $0x80, v3, vm0, $0xb8;
	[tilespmem:$0x1C580] =	vst v63  }
0x10d: {  	v3 =	vld [tilespmem:s25+$0xFFFFFFD8];
	_ =	sdelay $0x4  }
0x10e: {  	v61 =	vshll.u32 v3, $0x3  }
0x10f: {  	v3 =	vand.u32 $0x7, v3;
	v4 =	vand.u32 $0xFFFFFFC0, v61  }
0x110: {  	v3 =	vor.u32 v3, v4  }
0x111: {  	v4 =	vperm.xlane v3, v0;
	_ =	sdelay $0x1  }
0x112: {  	v4 =	vadd.s32 v1, v4;
	_ =	sdelay $0x3  }
0x113: {  	s26 =	simm.s32 $0x4580  }
0x114: {  	[tilespmem:s26], [sflag:$0x1] =	stream.indirect_vreg.gather [hbm4b:s3+s2], $0x80, v4, vm0, $0xb8;
	[tilespmem:$0x1C580] =	vst v63  }
0x115: {  	v3 =	vperm.xlane v3, v2;
	s26 =	simm.s32 $0x4D80  }
0x116: {  	[tilespmem:s26], [sflag:$0x1] =	stream.indirect_vreg.gather [hbm4b:s5+s2], $0x80, v4, vm0, $0xb8;
	[tilespmem:$0x1C580] =	vst v63  }
0x117: {  	v3 =	vadd.s32 v1, v3;
	s26 =	simm.s32 $0x5580  }
0x118: {  	[tilespmem:s26], [sflag:$0x1] =	stream.indirect_vreg.gather [hbm4b:s6+s2], $0x80, v4, vm0, $0xb8;
	[tilespmem:$0x1C580] =	vst v63  }
0x119: {  	s26 =	simm.s32 $0x5D80  }
0x11a: {  	[tilespmem:s26], [sflag:$0x1] =	stream.indirect_vreg.gather [hbm4b:s7+s2], $0x80, v4, vm0, $0xb8;
	[tilespmem:$0x1C580] =	vst v63  }
0x11b: {  	s26 =	simm.s32 $0x6580  }
0x11c: {  	[tilespmem:s26], [sflag:$0x1] =	stream.indirect_vreg.gather [hbm4b:s3+s2], $0x80, v3, vm0, $0xb8;
	[tilespmem:$0x1C580] =	vst v63  }
0x11d: {  	s26 =	simm.s32 $0x6D80  }
0x11e: {  	[tilespmem:s26], [sflag:$0x1] =	stream.indirect_vreg.gather [hbm4b:s5+s2], $0x80, v3, vm0, $0xb8;
	[tilespmem:$0x1C580] =	vst v63  }
0x11f: {  	s26 =	simm.s32 $0x7580  }
0x120: {  	[tilespmem:s26], [sflag:$0x1] =	stream.indirect_vreg.gather [hbm4b:s6+s2], $0x80, v3, vm0, $0xb8;
	[tilespmem:$0x1C580] =	vst v63  }
0x121: {  	s26 =	simm.s32 $0x7D80  }
0x122: {  	[tilespmem:s26], [sflag:$0x1] =	stream.indirect_vreg.gather [hbm4b:s7+s2], $0x80, v3, vm0, $0xb8;
	[tilespmem:$0x1C580] =	vst v63  }
0x123: {  	v3 =	vld [tilespmem:s25+$0xFFFFFFE8];
	_ =	sdelay $0x4  }
0x124: {  	v62 =	vshll.u32 v3, $0x3  }
0x125: {  	v3 =	vand.u32 $0x7, v3;
	v4 =	vand.u32 $0xFFFFFFC0, v62  }
0x126: {  	v3 =	vor.u32 v3, v4  }
0x127: {  	v4 =	vperm.xlane v3, v0;
	_ =	sdelay $0x1  }
0x128: {  	v4 =	vadd.s32 v1, v4;
	_ =	sdelay $0x3  }
0x129: {  	s26 =	simm.s32 $0x8580  }
0x12a: {  	[tilespmem:s26], [sflag:$0x1] =	stream.indirect_vreg.gather [hbm4b:s3+s2], $0x80, v4, vm0, $0xb8;
	[tilespmem:$0x1C580] =	vst v63  }
0x12b: {  	v3 =	vperm.xlane v3, v2;
	s26 =	simm.s32 $0x8D80  }
0x12c: {  	[tilespmem:s26], [sflag:$0x1] =	stream.indirect_vreg.gather [hbm4b:s5+s2], $0x80, v4, vm0, $0xb8;
	[tilespmem:$0x1C580] =	vst v63  }
0x12d: {  	v3 =	vadd.s32 v1, v3;
	s26 =	simm.s32 $0x9580  }
0x12e: {  	[tilespmem:s26], [sflag:$0x1] =	stream.indirect_vreg.gather [hbm4b:s6+s2], $0x80, v4, vm0, $0xb8;
	[tilespmem:$0x1C580] =	vst v63  }
0x12f: {  	s26 =	simm.s32 $0x9D80  }
0x130: {  	[tilespmem:s26], [sflag:$0x1] =	stream.indirect_vreg.gather [hbm4b:s7+s2], $0x80, v4, vm0, $0xb8;
	[tilespmem:$0x1C580] =	vst v63  }
0x131: {  	s26 =	simm.s32 $0xA580  }
0x132: {  	[tilespmem:s26], [sflag:$0x1] =	stream.indirect_vreg.gather [hbm4b:s3+s2], $0x80, v3, vm0, $0xb8;
	[tilespmem:$0x1C580] =	vst v63  }
0x133: {  	s26 =	simm.s32 $0xAD80  }
0x134: {  	[tilespmem:s26], [sflag:$0x1] =	stream.indirect_vreg.gather [hbm4b:s5+s2], $0x80, v3, vm0, $0xb8;
	[tilespmem:$0x1C580] =	vst v63  }
0x135: {  	s26 =	simm.s32 $0xB580  }
0x136: {  	[tilespmem:s26], [sflag:$0x1] =	stream.indirect_vreg.gather [hbm4b:s6+s2], $0x80, v3, vm0, $0xb8;
	[tilespmem:$0x1C580] =	vst v63  }
0x137: {  	s26 =	simm.s32 $0xBD80  }
0x138: {  	[tilespmem:s26], [sflag:$0x1] =	stream.indirect_vreg.gather [hbm4b:s7+s2], $0x80, v3, vm0, $0xb8;
	[tilespmem:$0x1C580] =	vst v63  }
0x139: {  	v3 =	vld.msk [tilespmem:s25+$0xFFFFFFF8], $0xff;
	_ =	sdelay $0x4  }
0x13a: {  	v63 =	vshll.u32 v3, $0x3  }
0x13b: {  	v3 =	vand.u32 $0x7, v3;
	v4 =	vand.u32 $0xFFFFFFC0, v63  }
0x13c: {  	v3 =	vor.u32 v3, v4  }
0x13d: {  	v3 =	vperm.xlane v3, v0;
	_ =	sdelay $0x1  }
0x13e: {  	v3 =	vadd.s32 v1, v3;
	_ =	sdelay $0x3  }
0x13f: {  	s26 =	simm.s32 $0xC580  }
0x140: {  	[tilespmem:s26], [sflag:$0x1] =	stream.indirect_vreg.gather [hbm4b:s3+s2], $0x80, v3, vm0, $0xb8;
	[tilespmem:$0x1C580] =	vst v63  }
0x141: {  	s26 =	simm.s32 $0xCD80  }
0x142: {  	[tilespmem:s26], [sflag:$0x1] =	stream.indirect_vreg.gather [hbm4b:s5+s2], $0x80, v3, vm0, $0xb8;
	[tilespmem:$0x1C580] =	vst v63  }
0x143: {  	s26 =	simm.s32 $0xD580  }
0x144: {  	[tilespmem:s26], [sflag:$0x1] =	stream.indirect_vreg.gather [hbm4b:s6+s2], $0x80, v3, vm0, $0xb8;
	[tilespmem:$0x1C580] =	vst v63  }
0x145: {  	_ = 	snop  }
0x146: {  	[tilespmem:s28], [sflag:$0x1] =	stream.indirect_vreg.gather [hbm4b:s7+s2], $0x80, v3, vm0, $0xb8;
	[tilespmem:$0x1C580] =	vst v63  }
0x147: {  	_ =	swait.ge [sflag:s29], $0xE000  }
0x148: {  	[sflag:s29] =	ssyncset.done $0x0  }
0x149: {  	s26 =	sadd.s32 s14, s16;
	[sflag:s29] =	ssyncadd.s32 $0xFFFF2000  }
0x14a: {  	[hbm4b:s26+s2] =	stream.linear.scatter [tilespmem:s21], [sflag:$0x2], $0xE000, $0x38;
	[tilespmem:$0x1C580] =	vst v63  }
.LBB2_8:
0x14b: {  	p3 =	sge.u32 s9, s11  }
.Ltmp7:
0x14c: {  	_ = 	snop;
	(pc) =	sbr.rel @p3 .LBB2_10-.Ltmp7, $1  }
0x14d: {  	_ =	sdelay $0x3  }
0x14e: {  	s26 =	simm.s32 @!p2 $0x3  }
0x14f: {  	_ =	swait.ge @!p2 [sflag:s26], $0xE000  }
0x150: {  	[sflag:s26] =	ssyncset.done @!p2 $0x0  }
0x151: {  	[sflag:s26] =	ssyncadd.s32 @!p2 $0xFFFF2000  }
0x152: {  	v3 =	vld [tilespmem:s25+$0x0];
	_ =	sdelay $0x4  }
0x153: {  	v4 =	vshll.u32 v3, $0x3  }
0x154: {  	v3 =	vand.u32 $0x7, v3;
	v4 =	vand.u32 $0xFFFFFFC0, v4  }
0x155: {  	v3 =	vor.u32 v3, v4  }
0x156: {  	v4 =	vperm.xlane v3, v0;
	_ =	sdelay $0x1  }
0x157: {  	v4 =	vadd.s32 v1, v4;
	_ =	sdelay $0x4  }
0x158: {  	[tilespmem:s30], [sflag:$0x1] =	stream.indirect_vreg.gather [hbm4b:s3+s2], $0x80, v4, vm0, $0xb8;
	[tilespmem:$0x1C580] =	vst v63  }
0x159: {  	s26 =	simm.s32 $0xED80;
	v3 =	vperm.xlane v3, v2  }
0x15a: {  	[tilespmem:s26], [sflag:$0x1] =	stream.indirect_vreg.gather [hbm4b:s5+s2], $0x80, v4, vm0, $0xb8;
	[tilespmem:$0x1C580] =	vst v63  }
0x15b: {  	v3 =	vadd.s32 v1, v3;
	s26 =	simm.s32 $0xF580  }
0x15c: {  	[tilespmem:s26], [sflag:$0x1] =	stream.indirect_vreg.gather [hbm4b:s6+s2], $0x80, v4, vm0, $0xb8;
	[tilespmem:$0x1C580] =	vst v63  }
0x15d: {  	s26 =	simm.s32 $0xFD80  }
0x15e: {  	[tilespmem:s26], [sflag:$0x1] =	stream.indirect_vreg.gather [hbm4b:s7+s2], $0x80, v4, vm0, $0xb8;
	[tilespmem:$0x1C580] =	vst v63  }
0x15f: {  	s26 =	simm.s32 $0x10580  }
0x160: {  	[tilespmem:s26], [sflag:$0x1] =	stream.indirect_vreg.gather [hbm4b:s3+s2], $0x80, v3, vm0, $0xb8;
	[tilespmem:$0x1C580] =	vst v63  }
0x161: {  	s26 =	simm.s32 $0x10D80  }
0x162: {  	[tilespmem:s26], [sflag:$0x1] =	stream.indirect_vreg.gather [hbm4b:s5+s2], $0x80, v3, vm0, $0xb8;
	[tilespmem:$0x1C580] =	vst v63  }
0x163: {  	s26 =	simm.s32 $0x11580  }
0x164: {  	[tilespmem:s26], [sflag:$0x1] =	stream.indirect_vreg.gather [hbm4b:s6+s2], $0x80, v3, vm0, $0xb8;
	[tilespmem:$0x1C580] =	vst v63  }
0x165: {  	s26 =	simm.s32 $0x11D80  }
0x166: {  	[tilespmem:s26], [sflag:$0x1] =	stream.indirect_vreg.gather [hbm4b:s7+s2], $0x80, v3, vm0, $0xb8;
	[tilespmem:$0x1C580] =	vst v63  }
0x167: {  	v3 =	vld [tilespmem:s25+$0x10];
	_ =	sdelay $0x4  }
0x168: {  	v61 =	vshll.u32 v3, $0x3  }
0x169: {  	v3 =	vand.u32 $0x7, v3;
	v4 =	vand.u32 $0xFFFFFFC0, v61  }
0x16a: {  	v3 =	vor.u32 v3, v4  }
0x16b: {  	v4 =	vperm.xlane v3, v0;
	_ =	sdelay $0x1  }
0x16c: {  	v4 =	vadd.s32 v1, v4;
	_ =	sdelay $0x3  }
0x16d: {  	s26 =	simm.s32 $0x12580  }
0x16e: {  	[tilespmem:s26], [sflag:$0x1] =	stream.indirect_vreg.gather [hbm4b:s3+s2], $0x80, v4, vm0, $0xb8;
	[tilespmem:$0x1C580] =	vst v63  }
0x16f: {  	v3 =	vperm.xlane v3, v2;
	s26 =	simm.s32 $0x12D80  }
0x170: {  	[tilespmem:s26], [sflag:$0x1] =	stream.indirect_vreg.gather [hbm4b:s5+s2], $0x80, v4, vm0, $0xb8;
	[tilespmem:$0x1C580] =	vst v63  }
0x171: {  	v3 =	vadd.s32 v1, v3;
	s26 =	simm.s32 $0x13580  }
0x172: {  	[tilespmem:s26], [sflag:$0x1] =	stream.indirect_vreg.gather [hbm4b:s6+s2], $0x80, v4, vm0, $0xb8;
	[tilespmem:$0x1C580] =	vst v63  }
0x173: {  	s26 =	simm.s32 $0x13D80  }
0x174: {  	[tilespmem:s26], [sflag:$0x1] =	stream.indirect_vreg.gather [hbm4b:s7+s2], $0x80, v4, vm0, $0xb8;
	[tilespmem:$0x1C580] =	vst v63  }
0x175: {  	s26 =	simm.s32 $0x14580  }
0x176: {  	[tilespmem:s26], [sflag:$0x1] =	stream.indirect_vreg.gather [hbm4b:s3+s2], $0x80, v3, vm0, $0xb8;
	[tilespmem:$0x1C580] =	vst v63  }
0x177: {  	s26 =	simm.s32 $0x14D80  }
0x178: {  	[tilespmem:s26], [sflag:$0x1] =	stream.indirect_vreg.gather [hbm4b:s5+s2], $0x80, v3, vm0, $0xb8;
	[tilespmem:$0x1C580] =	vst v63  }
0x179: {  	_ = 	snop  }
0x17a: {  	[tilespmem:s10], [sflag:$0x1] =	stream.indirect_vreg.gather [hbm4b:s6+s2], $0x80, v3, vm0, $0xb8;
	[tilespmem:$0x1C580] =	vst v63  }
0x17b: {  	_ = 	snop  }
0x17c: {  	[tilespmem:s15], [sflag:$0x1] =	stream.indirect_vreg.gather [hbm4b:s7+s2], $0x80, v3, vm0, $0xb8;
	[tilespmem:$0x1C580] =	vst v63  }
0x17d: {  	v3 =	vld [tilespmem:s25+$0x20];
	_ =	sdelay $0x4  }
0x17e: {  	v62 =	vshll.u32 v3, $0x3  }
0x17f: {  	v3 =	vand.u32 $0x7, v3;
	v4 =	vand.u32 $0xFFFFFFC0, v62  }
0x180: {  	v3 =	vor.u32 v3, v4  }
0x181: {  	v4 =	vperm.xlane v3, v0;
	_ =	sdelay $0x1  }
0x182: {  	v4 =	vadd.s32 v1, v4;
	_ =	sdelay $0x4  }
0x183: {  	[tilespmem:s31], [sflag:$0x1] =	stream.indirect_vreg.gather [hbm4b:s3+s2], $0x80, v4, vm0, $0xb8;
	[tilespmem:$0x1C580] =	vst v63  }
0x184: {  	v3 =	vperm.xlane v3, v2  }
0x185: {  	[tilespmem:s17], [sflag:$0x1] =	stream.indirect_vreg.gather [hbm4b:s5+s2], $0x80, v4, vm0, $0xb8;
	[tilespmem:$0x1C580] =	vst v63  }
0x186: {  	v3 =	vadd.s32 v1, v3  }
0x187: {  	[tilespmem:s4], [sflag:$0x1] =	stream.indirect_vreg.gather [hbm4b:s6+s2], $0x80, v4, vm0, $0xb8;
	[tilespmem:$0x1C580] =	vst v63  }
0x188: {  	_ = 	snop  }
0x189: {  	[tilespmem:s19], [sflag:$0x1] =	stream.indirect_vreg.gather [hbm4b:s7+s2], $0x80, v4, vm0, $0xb8;
	[tilespmem:$0x1C580] =	vst v63  }
0x18a: {  	_ = 	snop  }
0x18b: {  	[tilespmem:s1], [sflag:$0x1] =	stream.indirect_vreg.gather [hbm4b:s3+s2], $0x80, v3, vm0, $0xb8;
	[tilespmem:$0x1C580] =	vst v63  }
0x18c: {  	_ = 	snop  }
0x18d: {  	[tilespmem:s20], [sflag:$0x1] =	stream.indirect_vreg.gather [hbm4b:s5+s2], $0x80, v3, vm0, $0xb8;
	[tilespmem:$0x1C580] =	vst v63  }
0x18e: {  	_ = 	snop  }
0x18f: {  	[tilespmem:s8], [sflag:$0x1] =	stream.indirect_vreg.gather [hbm4b:s6+s2], $0x80, v3, vm0, $0xb8;
	[tilespmem:$0x1C580] =	vst v63  }
0x190: {  	_ = 	snop  }
0x191: {  	[tilespmem:s22], [sflag:$0x1] =	stream.indirect_vreg.gather [hbm4b:s7+s2], $0x80, v3, vm0, $0xb8;
	[tilespmem:$0x1C580] =	vst v63  }
0x192: {  	v3 =	vld.msk [tilespmem:s25+$0x30], $0xff;
	_ =	sdelay $0x4  }
0x193: {  	v63 =	vshll.u32 v3, $0x3  }
0x194: {  	v3 =	vand.u32 $0x7, v3;
	v4 =	vand.u32 $0xFFFFFFC0, v63  }
0x195: {  	v3 =	vor.u32 v3, v4  }
0x196: {  	v3 =	vperm.xlane v3, v0;
	_ =	sdelay $0x1  }
0x197: {  	v3 =	vadd.s32 v1, v3;
	_ =	sdelay $0x4  }
0x198: {  	[tilespmem:s0], [sflag:$0x1] =	stream.indirect_vreg.gather [hbm4b:s3+s2], $0x80, v3, vm0, $0xb8;
	[tilespmem:$0x1C580] =	vst v63  }
0x199: {  	_ = 	snop  }
0x19a: {  	[tilespmem:s23], [sflag:$0x1] =	stream.indirect_vreg.gather [hbm4b:s5+s2], $0x80, v3, vm0, $0xb8;
	[tilespmem:$0x1C580] =	vst v63  }
0x19b: {  	_ = 	snop  }
0x19c: {  	[tilespmem:s13], [sflag:$0x1] =	stream.indirect_vreg.gather [hbm4b:s6+s2], $0x80, v3, vm0, $0xb8;
	[tilespmem:$0x1C580] =	vst v63  }
0x19d: {  	_ = 	snop  }
0x19e: {  	[tilespmem:s24], [sflag:$0x1] =	stream.indirect_vreg.gather [hbm4b:s7+s2], $0x80, v3, vm0, $0xb8;
	[tilespmem:$0x1C580] =	vst v63  }
.Ltmp8:
0x19f: {  	_ = 	snop;
	(pc) =	sbr.rel .LBB2_10-.Ltmp8, $4  }
0x1a0: {  	_ =	swait.ge [sflag:s29], $0xE000  }
0x1a1: {  	s26 =	sadd.s32 s14, s16;
	[sflag:s29] =	ssyncset.done $0x0  }
0x1a2: {  	s26 =	sadd.s32 $0x1C00, s26;
	[sflag:s29] =	ssyncadd.s32 $0xFFFF2000  }
0x1a3: {  	[hbm4b:s26+s2] =	stream.linear.scatter [tilespmem:s30], [sflag:$0x3], $0xE000, $0x38;
	[tilespmem:$0x1C580] =	vst v63  }
.LBB2_11:
0x1a4: {  	s9 =	simm.s32 $0x2  }
0x1a5: {  	_ =	swait.ge [sflag:s9], $0xE000  }
0x1a6: {  	[sflag:s9] =	ssyncset.done $0x0  }
0x1a7: {  	s14 =	simm.s32 $0x3;
	[sflag:s9] =	ssyncadd.s32 $0xFFFF2000  }
0x1a8: {  	_ =	swait.ge [sflag:s14], $0xE000  }
0x1a9: {  	s26 =	simm.s32 $0x4;
	[sflag:s14] =	ssyncset.done $0x0  }
.Ltmp9:
0x1aa: {  	s25 =	rddreg [dreg:$0xb];
	[sflag:s14] =	ssyncadd.s32 $0xFFFF2000;
	(pc) =	sbr.rel .LBB2_12-.Ltmp9, $4  }
0x1ab: {  	[tilespmem:s2], [sflag:$0x4] =	stream.linear.gather [hbm4b:s25+s2], $0x508, $0x38;
	[tilespmem:$0x1C580] =	vst v63  }
0x1ac: {  	_ =	swait.ge [sflag:s26], $0x508  }
0x1ad: {  	s9 =	simm.s32 $0x1;
	[sflag:s26] =	ssyncset.done $0x0  }
0x1ae: {  	s25 =	simm.s32 $0x38;
	s14 =	rddreg [dreg:$0xe];
	[sflag:s26] =	ssyncadd.s32 $0xFFFFFAF8  }
.LBB2_16:
0x1af: {  	s9 =	sadd.s32 $0x2, s9  }
0x1b0: {  	p2 =	sne.s32 s9, $0x19  }
.Ltmp10:
0x1b1: {  	_ = 	snop;
	(pc) =	sbr.rel @!p2 .LBB2_17-.Ltmp10, $2  }
0x1b2: {  	_ =	sdelay $0x2  }
0x1b3: {  	s14 =	sadd.s32 $0x3800, s14;
	s25 =	sadd.s32 $0x70, s25  }
.LBB2_12:
0x1b4: {  	s26 =	sadd.s32 $0xFFFFFFFF, s9  }
0x1b5: {  	p3 =	sge.u32 s26, s12  }
.Ltmp11:
0x1b6: {  	_ = 	snop;
	(pc) =	sbr.rel @p3 .LBB2_14-.Ltmp11, $2  }
0x1b7: {  	_ =	sdelay $0x2  }
0x1b8: {  	p2 =	seq.s32 s9, $0x1  }
0x1b9: {  	s26 =	simm.s32 @!p2 $0x2  }
0x1ba: {  	_ =	swait.ge @!p2 [sflag:s26], $0xE000  }
0x1bb: {  	[sflag:s26] =	ssyncset.done @!p2 $0x0  }
0x1bc: {  	[sflag:s26] =	ssyncadd.s32 @!p2 $0xFFFF2000  }
0x1bd: {  	v3 =	vld [tilespmem:s25+$0xFFFFFFC8];
	_ =	sdelay $0x4  }
0x1be: {  	v4 =	vshll.u32 v3, $0x3  }
0x1bf: {  	v3 =	vand.u32 $0x7, v3;
	v4 =	vand.u32 $0xFFFFFFC0, v4  }
0x1c0: {  	v3 =	vor.u32 v3, v4  }
0x1c1: {  	v4 =	vperm.xlane v3, v0;
	_ =	sdelay $0x1  }
0x1c2: {  	v4 =	vadd.s32 v1, v4;
	_ =	sdelay $0x4  }
0x1c3: {  	[tilespmem:s21], [sflag:$0x1] =	stream.indirect_vreg.gather [hbm4b:s3+s2], $0x80, v4, vm0, $0xb8;
	[tilespmem:$0x1C580] =	vst v63  }
0x1c4: {  	s26 =	simm.s32 $0xD80;
	v3 =	vperm.xlane v3, v2  }
0x1c5: {  	[tilespmem:s26], [sflag:$0x1] =	stream.indirect_vreg.gather [hbm4b:s5+s2], $0x80, v4, vm0, $0xb8;
	[tilespmem:$0x1C580] =	vst v63  }
0x1c6: {  	v3 =	vadd.s32 v1, v3;
	s26 =	simm.s32 $0x1580  }
0x1c7: {  	[tilespmem:s26], [sflag:$0x1] =	stream.indirect_vreg.gather [hbm4b:s6+s2], $0x80, v4, vm0, $0xb8;
	[tilespmem:$0x1C580] =	vst v63  }
0x1c8: {  	s26 =	simm.s32 $0x1D80  }
0x1c9: {  	[tilespmem:s26], [sflag:$0x1] =	stream.indirect_vreg.gather [hbm4b:s7+s2], $0x80, v4, vm0, $0xb8;
	[tilespmem:$0x1C580] =	vst v63  }
0x1ca: {  	s26 =	simm.s32 $0x2580  }
0x1cb: {  	[tilespmem:s26], [sflag:$0x1] =	stream.indirect_vreg.gather [hbm4b:s3+s2], $0x80, v3, vm0, $0xb8;
	[tilespmem:$0x1C580] =	vst v63  }
0x1cc: {  	s26 =	simm.s32 $0x2D80  }
0x1cd: {  	[tilespmem:s26], [sflag:$0x1] =	stream.indirect_vreg.gather [hbm4b:s5+s2], $0x80, v3, vm0, $0xb8;
	[tilespmem:$0x1C580] =	vst v63  }
0x1ce: {  	s26 =	simm.s32 $0x3580  }
0x1cf: {  	[tilespmem:s26], [sflag:$0x1] =	stream.indirect_vreg.gather [hbm4b:s6+s2], $0x80, v3, vm0, $0xb8;
	[tilespmem:$0x1C580] =	vst v63  }
0x1d0: {  	s26 =	simm.s32 $0x3D80  }
0x1d1: {  	[tilespmem:s26], [sflag:$0x1] =	stream.indirect_vreg.gather [hbm4b:s7+s2], $0x80, v3, vm0, $0xb8;
	[tilespmem:$0x1C580] =	vst v63  }
0x1d2: {  	v3 =	vld [tilespmem:s25+$0xFFFFFFD8];
	_ =	sdelay $0x4  }
0x1d3: {  	v61 =	vshll.u32 v3, $0x3  }
0x1d4: {  	v3 =	vand.u32 $0x7, v3;
	v4 =	vand.u32 $0xFFFFFFC0, v61  }
0x1d5: {  	v3 =	vor.u32 v3, v4  }
0x1d6: {  	v4 =	vperm.xlane v3, v0;
	_ =	sdelay $0x1  }
0x1d7: {  	v4 =	vadd.s32 v1, v4;
	_ =	sdelay $0x3  }
0x1d8: {  	s26 =	simm.s32 $0x4580  }
0x1d9: {  	[tilespmem:s26], [sflag:$0x1] =	stream.indirect_vreg.gather [hbm4b:s3+s2], $0x80, v4, vm0, $0xb8;
	[tilespmem:$0x1C580] =	vst v63  }
0x1da: {  	v3 =	vperm.xlane v3, v2;
	s26 =	simm.s32 $0x4D80  }
0x1db: {  	[tilespmem:s26], [sflag:$0x1] =	stream.indirect_vreg.gather [hbm4b:s5+s2], $0x80, v4, vm0, $0xb8;
	[tilespmem:$0x1C580] =	vst v63  }
0x1dc: {  	v3 =	vadd.s32 v1, v3;
	s26 =	simm.s32 $0x5580  }
0x1dd: {  	[tilespmem:s26], [sflag:$0x1] =	stream.indirect_vreg.gather [hbm4b:s6+s2], $0x80, v4, vm0, $0xb8;
	[tilespmem:$0x1C580] =	vst v63  }
0x1de: {  	s26 =	simm.s32 $0x5D80  }
0x1df: {  	[tilespmem:s26], [sflag:$0x1] =	stream.indirect_vreg.gather [hbm4b:s7+s2], $0x80, v4, vm0, $0xb8;
	[tilespmem:$0x1C580] =	vst v63  }
0x1e0: {  	s26 =	simm.s32 $0x6580  }
0x1e1: {  	[tilespmem:s26], [sflag:$0x1] =	stream.indirect_vreg.gather [hbm4b:s3+s2], $0x80, v3, vm0, $0xb8;
	[tilespmem:$0x1C580] =	vst v63  }
0x1e2: {  	s26 =	simm.s32 $0x6D80  }
0x1e3: {  	[tilespmem:s26], [sflag:$0x1] =	stream.indirect_vreg.gather [hbm4b:s5+s2], $0x80, v3, vm0, $0xb8;
	[tilespmem:$0x1C580] =	vst v63  }
0x1e4: {  	s26 =	simm.s32 $0x7580  }
0x1e5: {  	[tilespmem:s26], [sflag:$0x1] =	stream.indirect_vreg.gather [hbm4b:s6+s2], $0x80, v3, vm0, $0xb8;
	[tilespmem:$0x1C580] =	vst v63  }
0x1e6: {  	s26 =	simm.s32 $0x7D80  }
0x1e7: {  	[tilespmem:s26], [sflag:$0x1] =	stream.indirect_vreg.gather [hbm4b:s7+s2], $0x80, v3, vm0, $0xb8;
	[tilespmem:$0x1C580] =	vst v63  }
0x1e8: {  	v3 =	vld [tilespmem:s25+$0xFFFFFFE8];
	_ =	sdelay $0x4  }
0x1e9: {  	v62 =	vshll.u32 v3, $0x3  }
0x1ea: {  	v3 =	vand.u32 $0x7, v3;
	v4 =	vand.u32 $0xFFFFFFC0, v62  }
0x1eb: {  	v3 =	vor.u32 v3, v4  }
0x1ec: {  	v4 =	vperm.xlane v3, v0;
	_ =	sdelay $0x1  }
0x1ed: {  	v4 =	vadd.s32 v1, v4;
	_ =	sdelay $0x3  }
0x1ee: {  	s26 =	simm.s32 $0x8580  }
0x1ef: {  	[tilespmem:s26], [sflag:$0x1] =	stream.indirect_vreg.gather [hbm4b:s3+s2], $0x80, v4, vm0, $0xb8;
	[tilespmem:$0x1C580] =	vst v63  }
0x1f0: {  	v3 =	vperm.xlane v3, v2;
	s26 =	simm.s32 $0x8D80  }
0x1f1: {  	[tilespmem:s26], [sflag:$0x1] =	stream.indirect_vreg.gather [hbm4b:s5+s2], $0x80, v4, vm0, $0xb8;
	[tilespmem:$0x1C580] =	vst v63  }
0x1f2: {  	v3 =	vadd.s32 v1, v3;
	s26 =	simm.s32 $0x9580  }
0x1f3: {  	[tilespmem:s26], [sflag:$0x1] =	stream.indirect_vreg.gather [hbm4b:s6+s2], $0x80, v4, vm0, $0xb8;
	[tilespmem:$0x1C580] =	vst v63  }
0x1f4: {  	s26 =	simm.s32 $0x9D80  }
0x1f5: {  	[tilespmem:s26], [sflag:$0x1] =	stream.indirect_vreg.gather [hbm4b:s7+s2], $0x80, v4, vm0, $0xb8;
	[tilespmem:$0x1C580] =	vst v63  }
0x1f6: {  	s26 =	simm.s32 $0xA580  }
0x1f7: {  	[tilespmem:s26], [sflag:$0x1] =	stream.indirect_vreg.gather [hbm4b:s3+s2], $0x80, v3, vm0, $0xb8;
	[tilespmem:$0x1C580] =	vst v63  }
0x1f8: {  	s26 =	simm.s32 $0xAD80  }
0x1f9: {  	[tilespmem:s26], [sflag:$0x1] =	stream.indirect_vreg.gather [hbm4b:s5+s2], $0x80, v3, vm0, $0xb8;
	[tilespmem:$0x1C580] =	vst v63  }
0x1fa: {  	s26 =	simm.s32 $0xB580  }
0x1fb: {  	[tilespmem:s26], [sflag:$0x1] =	stream.indirect_vreg.gather [hbm4b:s6+s2], $0x80, v3, vm0, $0xb8;
	[tilespmem:$0x1C580] =	vst v63  }
0x1fc: {  	s26 =	simm.s32 $0xBD80  }
0x1fd: {  	[tilespmem:s26], [sflag:$0x1] =	stream.indirect_vreg.gather [hbm4b:s7+s2], $0x80, v3, vm0, $0xb8;
	[tilespmem:$0x1C580] =	vst v63  }
0x1fe: {  	v3 =	vld.msk [tilespmem:s25+$0xFFFFFFF8], $0xff;
	_ =	sdelay $0x4  }
0x1ff: {  	v63 =	vshll.u32 v3, $0x3  }
0x200: {  	v3 =	vand.u32 $0x7, v3;
	v4 =	vand.u32 $0xFFFFFFC0, v63  }
0x201: {  	v3 =	vor.u32 v3, v4  }
0x202: {  	v3 =	vperm.xlane v3, v0;
	_ =	sdelay $0x1  }
0x203: {  	v3 =	vadd.s32 v1, v3;
	_ =	sdelay $0x3  }
0x204: {  	s26 =	simm.s32 $0xC580  }
0x205: {  	[tilespmem:s26], [sflag:$0x1] =	stream.indirect_vreg.gather [hbm4b:s3+s2], $0x80, v3, vm0, $0xb8;
	[tilespmem:$0x1C580] =	vst v63  }
0x206: {  	s26 =	simm.s32 $0xCD80  }
0x207: {  	[tilespmem:s26], [sflag:$0x1] =	stream.indirect_vreg.gather [hbm4b:s5+s2], $0x80, v3, vm0, $0xb8;
	[tilespmem:$0x1C580] =	vst v63  }
0x208: {  	s26 =	simm.s32 $0xD580  }
0x209: {  	[tilespmem:s26], [sflag:$0x1] =	stream.indirect_vreg.gather [hbm4b:s6+s2], $0x80, v3, vm0, $0xb8;
	[tilespmem:$0x1C580] =	vst v63  }
0x20a: {  	_ = 	snop  }
0x20b: {  	[tilespmem:s28], [sflag:$0x1] =	stream.indirect_vreg.gather [hbm4b:s7+s2], $0x80, v3, vm0, $0xb8;
	[tilespmem:$0x1C580] =	vst v63  }
0x20c: {  	_ =	swait.ge [sflag:s29], $0xE000  }
0x20d: {  	[sflag:s29] =	ssyncset.done $0x0  }
0x20e: {  	s26 =	sadd.s32 s14, s18;
	[sflag:s29] =	ssyncadd.s32 $0xFFFF2000  }
0x20f: {  	[hbm4b:s26+s2] =	stream.linear.scatter [tilespmem:s21], [sflag:$0x2], $0xE000, $0x38;
	[tilespmem:$0x1C580] =	vst v63  }
.LBB2_14:
0x210: {  	p3 =	sge.u32 s9, s12  }
.Ltmp12:
0x211: {  	_ = 	snop;
	(pc) =	sbr.rel @p3 .LBB2_16-.Ltmp12, $1  }
0x212: {  	_ =	sdelay $0x3  }
0x213: {  	s26 =	simm.s32 @!p2 $0x3  }
0x214: {  	_ =	swait.ge @!p2 [sflag:s26], $0xE000  }
0x215: {  	[sflag:s26] =	ssyncset.done @!p2 $0x0  }
0x216: {  	[sflag:s26] =	ssyncadd.s32 @!p2 $0xFFFF2000  }
0x217: {  	v3 =	vld [tilespmem:s25+$0x0];
	_ =	sdelay $0x4  }
0x218: {  	v4 =	vshll.u32 v3, $0x3  }
0x219: {  	v3 =	vand.u32 $0x7, v3;
	v4 =	vand.u32 $0xFFFFFFC0, v4  }
0x21a: {  	v3 =	vor.u32 v3, v4  }
0x21b: {  	v4 =	vperm.xlane v3, v0;
	_ =	sdelay $0x1  }
0x21c: {  	v4 =	vadd.s32 v1, v4;
	_ =	sdelay $0x4  }
0x21d: {  	[tilespmem:s30], [sflag:$0x1] =	stream.indirect_vreg.gather [hbm4b:s3+s2], $0x80, v4, vm0, $0xb8;
	[tilespmem:$0x1C580] =	vst v63  }
0x21e: {  	s26 =	simm.s32 $0xED80;
	v3 =	vperm.xlane v3, v2  }
0x21f: {  	[tilespmem:s26], [sflag:$0x1] =	stream.indirect_vreg.gather [hbm4b:s5+s2], $0x80, v4, vm0, $0xb8;
	[tilespmem:$0x1C580] =	vst v63  }
0x220: {  	v3 =	vadd.s32 v1, v3;
	s26 =	simm.s32 $0xF580  }
0x221: {  	[tilespmem:s26], [sflag:$0x1] =	stream.indirect_vreg.gather [hbm4b:s6+s2], $0x80, v4, vm0, $0xb8;
	[tilespmem:$0x1C580] =	vst v63  }
0x222: {  	s26 =	simm.s32 $0xFD80  }
0x223: {  	[tilespmem:s26], [sflag:$0x1] =	stream.indirect_vreg.gather [hbm4b:s7+s2], $0x80, v4, vm0, $0xb8;
	[tilespmem:$0x1C580] =	vst v63  }
0x224: {  	s26 =	simm.s32 $0x10580  }
0x225: {  	[tilespmem:s26], [sflag:$0x1] =	stream.indirect_vreg.gather [hbm4b:s3+s2], $0x80, v3, vm0, $0xb8;
	[tilespmem:$0x1C580] =	vst v63  }
0x226: {  	s26 =	simm.s32 $0x10D80  }
0x227: {  	[tilespmem:s26], [sflag:$0x1] =	stream.indirect_vreg.gather [hbm4b:s5+s2], $0x80, v3, vm0, $0xb8;
	[tilespmem:$0x1C580] =	vst v63  }
0x228: {  	s26 =	simm.s32 $0x11580  }
0x229: {  	[tilespmem:s26], [sflag:$0x1] =	stream.indirect_vreg.gather [hbm4b:s6+s2], $0x80, v3, vm0, $0xb8;
	[tilespmem:$0x1C580] =	vst v63  }
0x22a: {  	s26 =	simm.s32 $0x11D80  }
0x22b: {  	[tilespmem:s26], [sflag:$0x1] =	stream.indirect_vreg.gather [hbm4b:s7+s2], $0x80, v3, vm0, $0xb8;
	[tilespmem:$0x1C580] =	vst v63  }
0x22c: {  	v3 =	vld [tilespmem:s25+$0x10];
	_ =	sdelay $0x4  }
0x22d: {  	v61 =	vshll.u32 v3, $0x3  }
0x22e: {  	v3 =	vand.u32 $0x7, v3;
	v4 =	vand.u32 $0xFFFFFFC0, v61  }
0x22f: {  	v3 =	vor.u32 v3, v4  }
0x230: {  	v4 =	vperm.xlane v3, v0;
	_ =	sdelay $0x1  }
0x231: {  	v4 =	vadd.s32 v1, v4;
	_ =	sdelay $0x3  }
0x232: {  	s26 =	simm.s32 $0x12580  }
0x233: {  	[tilespmem:s26], [sflag:$0x1] =	stream.indirect_vreg.gather [hbm4b:s3+s2], $0x80, v4, vm0, $0xb8;
	[tilespmem:$0x1C580] =	vst v63  }
0x234: {  	v3 =	vperm.xlane v3, v2;
	s26 =	simm.s32 $0x12D80  }
0x235: {  	[tilespmem:s26], [sflag:$0x1] =	stream.indirect_vreg.gather [hbm4b:s5+s2], $0x80, v4, vm0, $0xb8;
	[tilespmem:$0x1C580] =	vst v63  }
0x236: {  	v3 =	vadd.s32 v1, v3;
	s26 =	simm.s32 $0x13580  }
0x237: {  	[tilespmem:s26], [sflag:$0x1] =	stream.indirect_vreg.gather [hbm4b:s6+s2], $0x80, v4, vm0, $0xb8;
	[tilespmem:$0x1C580] =	vst v63  }
0x238: {  	s26 =	simm.s32 $0x13D80  }
0x239: {  	[tilespmem:s26], [sflag:$0x1] =	stream.indirect_vreg.gather [hbm4b:s7+s2], $0x80, v4, vm0, $0xb8;
	[tilespmem:$0x1C580] =	vst v63  }
0x23a: {  	s26 =	simm.s32 $0x14580  }
0x23b: {  	[tilespmem:s26], [sflag:$0x1] =	stream.indirect_vreg.gather [hbm4b:s3+s2], $0x80, v3, vm0, $0xb8;
	[tilespmem:$0x1C580] =	vst v63  }
0x23c: {  	s26 =	simm.s32 $0x14D80  }
0x23d: {  	[tilespmem:s26], [sflag:$0x1] =	stream.indirect_vreg.gather [hbm4b:s5+s2], $0x80, v3, vm0, $0xb8;
	[tilespmem:$0x1C580] =	vst v63  }
0x23e: {  	_ = 	snop  }
0x23f: {  	[tilespmem:s10], [sflag:$0x1] =	stream.indirect_vreg.gather [hbm4b:s6+s2], $0x80, v3, vm0, $0xb8;
	[tilespmem:$0x1C580] =	vst v63  }
0x240: {  	_ = 	snop  }
0x241: {  	[tilespmem:s15], [sflag:$0x1] =	stream.indirect_vreg.gather [hbm4b:s7+s2], $0x80, v3, vm0, $0xb8;
	[tilespmem:$0x1C580] =	vst v63  }
0x242: {  	v3 =	vld [tilespmem:s25+$0x20];
	_ =	sdelay $0x4  }
0x243: {  	v62 =	vshll.u32 v3, $0x3  }
0x244: {  	v3 =	vand.u32 $0x7, v3;
	v4 =	vand.u32 $0xFFFFFFC0, v62  }
0x245: {  	v3 =	vor.u32 v3, v4  }
0x246: {  	v4 =	vperm.xlane v3, v0;
	_ =	sdelay $0x1  }
0x247: {  	v4 =	vadd.s32 v1, v4;
	_ =	sdelay $0x4  }
0x248: {  	[tilespmem:s31], [sflag:$0x1] =	stream.indirect_vreg.gather [hbm4b:s3+s2], $0x80, v4, vm0, $0xb8;
	[tilespmem:$0x1C580] =	vst v63  }
0x249: {  	v3 =	vperm.xlane v3, v2  }
0x24a: {  	[tilespmem:s17], [sflag:$0x1] =	stream.indirect_vreg.gather [hbm4b:s5+s2], $0x80, v4, vm0, $0xb8;
	[tilespmem:$0x1C580] =	vst v63  }
0x24b: {  	v3 =	vadd.s32 v1, v3  }
0x24c: {  	[tilespmem:s4], [sflag:$0x1] =	stream.indirect_vreg.gather [hbm4b:s6+s2], $0x80, v4, vm0, $0xb8;
	[tilespmem:$0x1C580] =	vst v63  }
0x24d: {  	_ = 	snop  }
0x24e: {  	[tilespmem:s19], [sflag:$0x1] =	stream.indirect_vreg.gather [hbm4b:s7+s2], $0x80, v4, vm0, $0xb8;
	[tilespmem:$0x1C580] =	vst v63  }
0x24f: {  	_ = 	snop  }
0x250: {  	[tilespmem:s1], [sflag:$0x1] =	stream.indirect_vreg.gather [hbm4b:s3+s2], $0x80, v3, vm0, $0xb8;
	[tilespmem:$0x1C580] =	vst v63  }
0x251: {  	_ = 	snop  }
0x252: {  	[tilespmem:s20], [sflag:$0x1] =	stream.indirect_vreg.gather [hbm4b:s5+s2], $0x80, v3, vm0, $0xb8;
	[tilespmem:$0x1C580] =	vst v63  }
0x253: {  	_ = 	snop  }
0x254: {  	[tilespmem:s8], [sflag:$0x1] =	stream.indirect_vreg.gather [hbm4b:s6+s2], $0x80, v3, vm0, $0xb8;
	[tilespmem:$0x1C580] =	vst v63  }
0x255: {  	_ = 	snop  }
0x256: {  	[tilespmem:s22], [sflag:$0x1] =	stream.indirect_vreg.gather [hbm4b:s7+s2], $0x80, v3, vm0, $0xb8;
	[tilespmem:$0x1C580] =	vst v63  }
0x257: {  	v3 =	vld.msk [tilespmem:s25+$0x30], $0xff;
	_ =	sdelay $0x4  }
0x258: {  	v63 =	vshll.u32 v3, $0x3  }
0x259: {  	v3 =	vand.u32 $0x7, v3;
	v4 =	vand.u32 $0xFFFFFFC0, v63  }
0x25a: {  	v3 =	vor.u32 v3, v4  }
0x25b: {  	v3 =	vperm.xlane v3, v0;
	_ =	sdelay $0x1  }
0x25c: {  	v3 =	vadd.s32 v1, v3;
	_ =	sdelay $0x4  }
0x25d: {  	[tilespmem:s0], [sflag:$0x1] =	stream.indirect_vreg.gather [hbm4b:s3+s2], $0x80, v3, vm0, $0xb8;
	[tilespmem:$0x1C580] =	vst v63  }
0x25e: {  	_ = 	snop  }
0x25f: {  	[tilespmem:s23], [sflag:$0x1] =	stream.indirect_vreg.gather [hbm4b:s5+s2], $0x80, v3, vm0, $0xb8;
	[tilespmem:$0x1C580] =	vst v63  }
0x260: {  	_ = 	snop  }
0x261: {  	[tilespmem:s13], [sflag:$0x1] =	stream.indirect_vreg.gather [hbm4b:s6+s2], $0x80, v3, vm0, $0xb8;
	[tilespmem:$0x1C580] =	vst v63  }
0x262: {  	_ = 	snop  }
0x263: {  	[tilespmem:s24], [sflag:$0x1] =	stream.indirect_vreg.gather [hbm4b:s7+s2], $0x80, v3, vm0, $0xb8;
	[tilespmem:$0x1C580] =	vst v63  }
.Ltmp13:
0x264: {  	_ = 	snop;
	(pc) =	sbr.rel .LBB2_16-.Ltmp13, $4  }
0x265: {  	_ =	swait.ge [sflag:s29], $0xE000  }
0x266: {  	s26 =	sadd.s32 s14, s18;
	[sflag:s29] =	ssyncset.done $0x0  }
0x267: {  	s26 =	sadd.s32 $0x1C00, s26;
	[sflag:s29] =	ssyncadd.s32 $0xFFFF2000  }
0x268: {  	[hbm4b:s26+s2] =	stream.linear.scatter [tilespmem:s30], [sflag:$0x3], $0xE000, $0x38;
	[tilespmem:$0x1C580] =	vst v63  }
.LBB2_18:
0x269: {  	_ =	sfence.sel $0x180000  }
0x26a: {  	[bflag:$0x0] =	sbarrier.arrive $0xFFFF  }
0x26b: {  	_ =	strace $0x90000047  }
0x26c: {  	s0 =	stileid.u32;
	[bflag:$0x2] =	sbarrier.arrive $0xFFFF  }
0x26d: {  	p0 =	sne.s32 s0, $0x0;
	s0 =	rddreg [dreg:$0x5]  }
0x26e: {  	s0 =	sadd.s32 @!p0 $0x100000, s0  }
0x26f: {  	[sflag:s0] =	ssyncadd.tile.s32 @!p0 $0x1;
	_ =	shalt  }
.Lfunc_end2:
_tile_overlayer_lowered:
.L_overlay_start_2:
0x270: {  	(tag) =	ssettag $0x2  }
0x271: {  	s0 =	rddreg [dreg:$0x0];
	s2 =	stileid.u32  }
0x272: {  	s1 =	rddreg [dreg:$0x1];
	p0 =	sne.s32 s2, $0x0  }
0x273: {  	s3 =	rddreg [dreg:$0x2];
	[bflag:$0x3] =	sbarrier.arrive $0xFFFF;
	s2 =	simm.s32 @!p0 $0x1C04  }
0x274: {  	[timem:s3], [sflag:s2] =	dma.local @!p0 [hbm:s0], s1  }
0x275: {  	s0 =	simm.s32 @!p0 $0x4  }
0x276: {  	_ =	swait.ge @!p0 [sflag:s0], s1  }
0x277: {  	s1 =	ssub.s32 @!p0 $0x0, s1;
	[sflag:s0] =	ssyncset.done @!p0 $0x0  }
0x278: {  	[sflag:s0] =	ssyncadd.s32 @!p0 s1  }
0x279: {  	[bflag:$0x3] =	sbarrier.arrive $0xFFFF  }
0x27a: {  	_ =	shalt  }

</sc_bundles>
